<compile_context>
chip_gen: v7x
topology: tpu7x:2x2x1
jax: 0.10.2.dev20260603
libtpu: 0.0.44.dev20260713+nightly
codegen_flags: <defaults>
</compile_context>

<pallas_src>
import functools

import jax
import jax.numpy as jnp
from jax import lax
from jax.experimental import pallas as pl
from jax.experimental.pallas import tpu as pltpu
from jax.experimental.pallas import tpu_sc as plsc

_N, _D, _B = 50000, 512, 64
_H = _D // 16
_C = 80
_G = _C // 16
_NCH = _N // _C
_NW = 32
_CHUNKS_LO = 19
_EXTRA = _NCH - _NW * _CHUNKS_LO


def _tree_max(vs):
    while len(vs) > 1:
        vs = [jnp.maximum(vs[i], vs[i + 1]) for i in range(0, len(vs) - 1, 2)] + (
            [vs[-1]] if len(vs) % 2 else [])
    return vs[0]


def _tree_sum(vs):
    while len(vs) > 1:
        vs = [vs[i] + vs[i + 1] for i in range(0, len(vs) - 1, 2)] + (
            [vs[-1]] if len(vs) % 2 else [])
    return vs[0]


def _sc_pool(x, batch_idx):
    mesh = plsc.VectorSubcoreMesh(core_axis_name="c", subcore_axis_name="s")

    @functools.partial(
        pl.kernel,
        out_type=[
            jax.ShapeDtypeStruct((_NW, _B, _D), jnp.float32),
            jax.ShapeDtypeStruct((_NW, _B, _D), jnp.float32),
            jax.ShapeDtypeStruct((_NW, _B, 16), jnp.float32),
        ],
        mesh=mesh,
        scratch_types=[
            pltpu.VMEM((_C, _D), jnp.float32),
            pltpu.VMEM((_C + 16,), jnp.int32),
            pltpu.VMEM((_B, _D), jnp.float32),
            pltpu.VMEM((_B, _D), jnp.float32),
            pltpu.VMEM((_B, 16), jnp.float32),
        ],
    )
    def k(x_hbm, idx_hbm, pmax_hbm, psum_hbm, pcnt_hbm, xbuf, idbuf, amax, asum, acnt):
        cid = lax.axis_index("c")
        sid = lax.axis_index("s")
        wid = sid * 2 + cid

        neg = jnp.full((16,), -jnp.inf, dtype=jnp.float32)
        zero = jnp.zeros((16,), dtype=jnp.float32)
        one = jnp.ones((16,), dtype=jnp.float32)

        def init_body(i, carry):
            b = i // _H
            h = i % _H
            amax[b, pl.ds(h * 16, 16)] = neg
            asum[b, pl.ds(h * 16, 16)] = zero
            return carry

        lax.fori_loop(0, _B * _H, init_body, 0)

        def init_cnt(b, carry):
            acnt[b, :] = zero
            return carry

        lax.fori_loop(0, _B, init_cnt, 0)

        nch = jnp.where(wid < _EXTRA, _CHUNKS_LO + 1, _CHUNKS_LO)
        start = wid * _CHUNKS_LO + jnp.minimum(wid, _EXTRA)

        def chunk_body(j, carry):
            c = start + j
            pltpu.sync_copy(x_hbm.at[pl.ds(c * _C, _C), :], xbuf)
            pltpu.sync_copy(idx_hbm.at[pl.ds(c * _C, _C)], idbuf.at[pl.ds(0, _C)])

            def group_body(g, gcarry):
                idvec = idbuf[pl.ds(g * 16, 16)]
                seg0 = idvec[0]
                seg15 = idvec[15]
                base = g * 16

                @pl.when(seg0 == seg15)
                def _fast():
                    acnt[seg0, :] = acnt[seg0, :] + 16.0

                    def col_body(h, hcarry):
                        sl = pl.ds(h * 16, 16)
                        vs = [xbuf[base + l, sl] for l in range(16)]
                        amax[seg0, sl] = jnp.maximum(amax[seg0, sl], _tree_max(vs))
                        asum[seg0, sl] = asum[seg0, sl] + _tree_sum(vs)
                        return hcarry

                    lax.fori_loop(0, _H, col_body, 0)

                @pl.when(seg0 != seg15)
                def _slow():
                    def lane_body(l, lcarry):
                        r = base + l
                        seg = idbuf[pl.ds(r, 16)][0]
                        acnt[seg, :] = acnt[seg, :] + one

                        def col_body(h, hcarry):
                            sl = pl.ds(h * 16, 16)
                            v = xbuf[r, sl]
                            amax[seg, sl] = jnp.maximum(amax[seg, sl], v)
                            asum[seg, sl] = asum[seg, sl] + v
                            return hcarry

                        lax.fori_loop(0, _H, col_body, 0)
                        return lcarry

                    lax.fori_loop(0, 16, lane_body, 0)

                return gcarry

            lax.fori_loop(0, _G, group_body, 0)
            return carry

        lax.fori_loop(0, nch, chunk_body, 0)

        pltpu.sync_copy(amax, pmax_hbm.at[wid])
        pltpu.sync_copy(asum, psum_hbm.at[wid])
        pltpu.sync_copy(acnt, pcnt_hbm.at[wid])

    return k(x, batch_idx)


def _tc_head_body(pmax_ref, psum_ref, pcnt_ref,
                  w1_ref, b1_ref, g1_ref, be1_ref,
                  w2_ref, b2_ref, g2_ref, be2_ref,
                  w3_ref, b3_ref, out_ref):
    xmax = jnp.max(pmax_ref[...], axis=0)
    xsum = jnp.sum(psum_ref[...], axis=0)
    cnt = jnp.sum(pcnt_ref[...], axis=0)[:, :1]
    xmean = xsum / jnp.maximum(cnt, 1.0)
    xx = jnp.concatenate([xmax, xmean], axis=1)

    def bn_lrelu(h, g, b):
        m = jnp.mean(h, axis=0)
        v = jnp.mean((h - m) ** 2, axis=0)
        h = (h - m) * lax.rsqrt(v + 1e-5) * g + b
        return jnp.where(h > 0, h, 0.01 * h)

    h = jnp.dot(xx, w1_ref[...], preferred_element_type=jnp.float32) + b1_ref[...]
    h = bn_lrelu(h, g1_ref[...], be1_ref[...])
    h = jnp.dot(h, w2_ref[...], preferred_element_type=jnp.float32) + b2_ref[...]
    h = bn_lrelu(h, g2_ref[...], be2_ref[...])
    out_ref[...] = jnp.dot(h, w3_ref[...], preferred_element_type=jnp.float32) + b3_ref[...]


def kernel(x, batch_idx, W1, b1, g1, be1, W2, b2, g2, be2, W3, b3):
    pmax, psum, pcnt = _sc_pool(x, batch_idx)
    out = pl.pallas_call(
        _tc_head_body,
        out_shape=jax.ShapeDtypeStruct((_B, 8), jnp.float32),
    )(pmax, psum, pcnt, W1, b1, g1, be1, W2, b2, g2, be2, W3, b3)
    return out

# --- scband reference (transcript-rebuilt; emitter-appended) ---
"""Pipeline reference for scband-site-classifier-linear-29557964931565 (READ-ONLY COPY).

The authoritative reference and input builder live on the scoring server;
editing this copy changes nothing except your own understanding.
"""

import jax, jax.numpy as jnp
import numpy as np

N, D, B, OUT = 50000, 512, 64, 8
H1, H2 = 512, 256


def setup_inputs(seed: int = 0) -> dict:
    key = jax.random.key(seed)
    ks = jax.random.split(key, 8)
    x = jax.random.normal(ks[0], (N, D), dtype=jnp.float32)
    batch_idx = jnp.sort(jax.random.randint(ks[1], (N,), 0, B, dtype=jnp.int32))

    def lin_w(k, fan_in, fan_out):
        return jax.random.normal(k, (fan_in, fan_out), dtype=jnp.float32) * (1.0 / np.sqrt(fan_in))

    W1 = lin_w(ks[2], 2 * D, H1)
    b1 = jnp.zeros((H1,), dtype=jnp.float32)
    g1 = jnp.ones((H1,), dtype=jnp.float32)
    be1 = jnp.zeros((H1,), dtype=jnp.float32)
    W2 = lin_w(ks[3], H1, H2)
    b2 = jnp.zeros((H2,), dtype=jnp.float32)
    g2 = jnp.ones((H2,), dtype=jnp.float32)
    be2 = jnp.zeros((H2,), dtype=jnp.float32)
    W3 = lin_w(ks[4], H2, OUT)
    b3 = jnp.zeros((OUT,), dtype=jnp.float32)
    return {"x": x, "batch_idx": batch_idx, "W1": W1, "b1": b1, "g1": g1, "be1": be1,
            "W2": W2, "b2": b2, "g2": g2, "be2": be2, "W3": W3, "b3": b3}


def _batchnorm(h, g, b):
    m = jnp.mean(h, axis=0)
    v = jnp.var(h, axis=0)
    return (h - m) / jnp.sqrt(v + 1e-5) * g + b


def _mlp(xx, W1, b1, g1, be1, W2, b2, g2, be2, W3, b3):
    h = xx @ W1 + b1
    h = jax.nn.leaky_relu(_batchnorm(h, g1, be1), negative_slope=0.01)
    h = h @ W2 + b2
    h = jax.nn.leaky_relu(_batchnorm(h, g2, be2), negative_slope=0.01)
    return h @ W3 + b3


def reference(x, batch_idx, W1, b1, g1, be1, W2, b2, g2, be2, W3, b3):
    # global_max_pool
    x1 = jax.ops.segment_max(x, batch_idx, num_segments=B)
    # global_mean_pool
    s = jax.ops.segment_sum(x, batch_idx, num_segments=B)
    cnt = jax.ops.segment_sum(jnp.ones((x.shape[0],), dtype=x.dtype), batch_idx, num_segments=B)
    x2 = s / jnp.maximum(cnt, 1.0)[:, None]
    xx = jnp.concatenate([x1, x2], axis=1)
    return _mlp(xx, W1, b1, g1, be1, W2, b2, g2, be2, W3, b3)

if __name__ == "__main__":
    import jax
    _d = setup_inputs()
    print(jax.jit(kernel)(*tuple(_d.values())))

</pallas_src>

<mosaic_0001>
#map = affine_map<(d0, d1) -> (0, 0)>
#map1 = affine_map<(d0, d1) -> (0)>
#map2 = affine_map<(d0, d1) -> (0, 0, 0)>
module attributes {stable_mosaic.version = 14 : i64} {
  func.func @k(%arg0: i32, %arg1: i32, %arg2: memref<50000x512xf32, #tpu.memory_space<hbm>>, %arg3: memref<50000xi32, #tpu.memory_space<hbm>>, %arg4: memref<32x64x512xf32, #tpu.memory_space<hbm>>, %arg5: memref<32x64x512xf32, #tpu.memory_space<hbm>>, %arg6: memref<32x64x16xf32, #tpu.memory_space<hbm>>, %arg7: memref<80x512xf32, #tpu.memory_space<vmem>>, %arg8: memref<96xi32, #tpu.memory_space<vmem>>, %arg9: memref<64x512xf32, #tpu.memory_space<vmem>>, %arg10: memref<64x512xf32, #tpu.memory_space<vmem>>, %arg11: memref<64x16xf32, #tpu.memory_space<vmem>>) attributes {dimension_semantics = [#tpu.dimension_semantics<core_parallel>, #tpu.dimension_semantics<subcore_parallel>], iteration_bounds = array<i64: 2, 16>, scalar_prefetch = 0 : i64, scratch_operands = 5 : i64, tpu.core_type = #tpu.core_type<sc_vector_subcore>, window_params = [{transform_indices = #map}, {transform_indices = #map1}, {transform_indices = #map2}, {transform_indices = #map2}, {transform_indices = #map2}]} {
    %mul3A = arith.constant 2 : i32
    %mul3A_0 = arith.muli %arg1, %mul3A : i32
    %add3A = arith.addi %mul3A_0, %arg0 : i32
    %broadcast_in_dim3A = arith.constant 0xFF800000 : f32
    %broadcast_in_dim3A_1 = vector.broadcast %broadcast_in_dim3A : f32 to vector<16xf32>
    %broadcast_in_dim3A_2 = arith.constant 0.000000e+00 : f32
    %broadcast_in_dim3A_3 = vector.broadcast %broadcast_in_dim3A_2 : f32 to vector<16xf32>
    %broadcast_in_dim3A_4 = arith.constant 1.000000e+00 : f32
    %broadcast_in_dim3A_5 = vector.broadcast %broadcast_in_dim3A_4 : f32 to vector<16xf32>
    %scan3A = arith.constant 0 : i32
    %scan3A_6 = arith.constant 0 : i32
    %scan3A_7 = arith.constant 2048 : i32
    %scan3A_8 = arith.addi %scan3A_6, %scan3A_7 : i32
    %scan3A_9 = arith.constant 1 : i32
    scf.for %scan3A_32 = %scan3A_6 to %scan3A_8 step %scan3A_9  : i32 {
      %jit3A_33 = arith.constant 32 : i32
      %div3A = arith.divsi %scan3A_32, %jit3A_33 : i32
      %sign3A = arith.constant 0 : i32
      %sign3A_34 = arith.cmpi sgt, %scan3A_32, %sign3A : i32
      %sign3A_35 = arith.extui %sign3A_34 : i1 to i32
      %sign3A_36 = arith.constant 0 : i32
      %sign3A_37 = arith.cmpi slt, %scan3A_32, %sign3A_36 : i32
      %sign3A_38 = arith.extui %sign3A_37 : i1 to i32
      %sign3A_39 = arith.subi %sign3A_35, %sign3A_38 : i32
      %sign3A_40 = arith.constant 0 : i32
      %sign3A_41 = arith.cmpi sgt, %jit3A_33, %sign3A_40 : i32
      %sign3A_42 = arith.extui %sign3A_41 : i1 to i32
      %sign3A_43 = arith.constant 0 : i32
      %sign3A_44 = arith.cmpi slt, %jit3A_33, %sign3A_43 : i32
      %sign3A_45 = arith.extui %sign3A_44 : i1 to i32
      %sign3A_46 = arith.subi %sign3A_42, %sign3A_45 : i32
      %ne3A = arith.cmpi ne, %sign3A_39, %sign3A_46 : i32
      %rem3A = arith.remsi %scan3A_32, %jit3A_33 : i32
      %ne3A_47 = arith.constant 0 : i32
      %ne3A_48 = arith.cmpi ne, %rem3A, %ne3A_47 : i32
      %and3A = arith.andi %ne3A, %ne3A_48 : i1
      %sub3A = arith.constant 1 : i32
      %sub3A_49 = arith.subi %div3A, %sub3A : i32
      %select_n3A_50 = arith.select %and3A, %sub3A_49, %div3A : i32
      %jit3A_51 = arith.constant 32 : i32
      %eq3A = arith.constant 0 : i32
      %eq3A_52 = arith.cmpi eq, %jit3A_51, %eq3A : i32
      %jit3A_53 = arith.constant 1 : i32
      %select_n3A_54 = arith.select %eq3A_52, %jit3A_53, %jit3A_51 : i32
      %rem3A_55 = arith.remsi %scan3A_32, %select_n3A_54 : i32
      %ne3A_56 = arith.constant 0 : i32
      %ne3A_57 = arith.cmpi ne, %rem3A_55, %ne3A_56 : i32
      %lt3A_58 = arith.constant 0 : i32
      %lt3A_59 = arith.cmpi slt, %rem3A_55, %lt3A_58 : i32
      %lt3A_60 = arith.constant 0 : i32
      %lt3A_61 = arith.cmpi slt, %select_n3A_54, %lt3A_60 : i32
      %ne3A_62 = arith.xori %lt3A_59, %lt3A_61 : i1
      %and3A_63 = arith.andi %ne3A_62, %ne3A_57 : i1
      %add3A_64 = arith.addi %rem3A_55, %select_n3A_54 : i32
      %select_n3A_65 = arith.select %and3A_63, %add3A_64, %rem3A_55 : i32
      %mul3A_66 = arith.constant 16 : i32
      %mul3A_67 = arith.muli %select_n3A_65, %mul3A_66 : i32
      %swap3A = arith.index_cast %select_n3A_50 : i32 to index
      %swap3A_68 = arith.index_cast %mul3A_67 : i32 to index
      %swap3A_69 = tpu.vector_load %arg9[%swap3A, %swap3A_68] {strides = array<i32>} : memref<64x512xf32, #tpu.memory_space<vmem>>, vector<1x16xf32>,
      %swap3A_70 = vector.shape_cast %swap3A_69 : vector<1x16xf32> to vector<16xf32>
      %swap3A_71 = vector.shape_cast %broadcast_in_dim3A_1 : vector<16xf32> to vector<1x16xf32>
      tpu.vector_store %arg9[%swap3A, %swap3A_68], %swap3A_71 {strides = array<i32>} : memref<64x512xf32, #tpu.memory_space<vmem>>, vector<1x16xf32>,
      %mul3A_72 = arith.constant 16 : i32
      %mul3A_73 = arith.muli %select_n3A_65, %mul3A_72 : i32
      %swap3A_74 = arith.index_cast %select_n3A_50 : i32 to index
      %swap3A_75 = arith.index_cast %mul3A_73 : i32 to index
      %swap3A_76 = tpu.vector_load %arg10[%swap3A_74, %swap3A_75] {strides = array<i32>} : memref<64x512xf32, #tpu.memory_space<vmem>>, vector<1x16xf32>,
      %swap3A_77 = vector.shape_cast %swap3A_76 : vector<1x16xf32> to vector<16xf32>
      %swap3A_78 = vector.shape_cast %broadcast_in_dim3A_3 : vector<16xf32> to vector<1x16xf32>
      tpu.vector_store %arg10[%swap3A_74, %swap3A_75], %swap3A_78 {strides = array<i32>} : memref<64x512xf32, #tpu.memory_space<vmem>>, vector<1x16xf32>,
    }
    %scan3A_10 = arith.constant 2048 : i32
    %scan3A_11 = arith.constant 0 : i32
    %scan3A_12 = arith.constant 0 : i32
    %scan3A_13 = arith.constant 64 : i32
    %scan3A_14 = arith.addi %scan3A_12, %scan3A_13 : i32
    %scan3A_15 = arith.constant 1 : i32
    scf.for %scan3A_32 = %scan3A_12 to %scan3A_14 step %scan3A_15  : i32 {
      %swap3A = arith.index_cast %scan3A_32 : i32 to index
      %swap3A_33 = arith.constant 0 : index
      %swap3A_34 = tpu.vector_load %arg11[%swap3A, %swap3A_33] {strides = array<i32>} : memref<64x16xf32, #tpu.memory_space<vmem>>, vector<1x16xf32>,
      %swap3A_35 = vector.shape_cast %swap3A_34 : vector<1x16xf32> to vector<16xf32>
      %swap3A_36 = vector.shape_cast %broadcast_in_dim3A_3 : vector<16xf32> to vector<1x16xf32>
      tpu.vector_store %arg11[%swap3A, %swap3A_33], %swap3A_36 {strides = array<i32>} : memref<64x16xf32, #tpu.memory_space<vmem>>, vector<1x16xf32>,
    }
    %scan3A_16 = arith.constant 64 : i32
    %lt3A = arith.constant 17 : i32
    %lt3A_17 = arith.cmpi slt, %add3A, %lt3A : i32
    %jit3A = arith.constant 20 : i32
    %jit3A_18 = arith.constant 19 : i32
    %select_n3A = arith.select %lt3A_17, %jit3A, %jit3A_18 : i32
    %mul3A_19 = arith.constant 19 : i32
    %mul3A_20 = arith.muli %add3A, %mul3A_19 : i32
    %min3A = arith.constant 17 : i32
    %min3A_21 = arith.minsi %add3A, %min3A : i32
    %add3A_22 = arith.addi %mul3A_20, %min3A_21 : i32
    %while3A = arith.constant 0 : i32
    %while3A_23 = arith.constant 0 : i32
    %while3A_24 = arith.subi %select_n3A, %while3A_23 : i32
    %while3A_25 = arith.addi %while3A_23, %while3A_24 : i32
    %while3A_26 = arith.constant 1 : i32
    %while3A_27 = arith.divsi %while3A_24, %while3A_26 : i32
    %while3A_28 = arith.muli %while3A_27, %while3A_26 : i32
    %while3A_29 = arith.addi %while3A_23, %while3A_28 : i32
    %while3A_30 = arith.constant 1 : i32
    scf.for %while3A_32 = %while3A_23 to %while3A_29 step %while3A_30  : i32 {
      %add3A_33 = arith.addi %add3A_22, %while3A_32 : i32
      %mul3A_34 = arith.constant 80 : i32
      %mul3A_35 = arith.muli %add3A_33, %mul3A_34 : i32
      "tpu.region"() ({
        %run_scoped3A = tpu.sem_alloc : memref<!tpu.dma_semaphore, #tpu.memory_space<semaphore_mem>>
        %dma_start3A = arith.constant 0 : i32
        %dma_start3A_44 = tpu.memref_slice %arg2[%mul3A_35, %dma_start3A] : memref<50000x512xf32, #tpu.memory_space<hbm>> -> memref<80x512xf32, #tpu.memory_space<hbm>>
        %dma_start3A_45 = arith.constant 0 : i32
        %dma_start3A_46 = tpu.memref_slice %arg2[%mul3A_35, %dma_start3A_45] : memref<50000x512xf32, #tpu.memory_space<hbm>> -> memref<80x512xf32, #tpu.memory_space<hbm>>
        tpu.enqueue_dma source(%dma_start3A_46 : memref<80x512xf32, #tpu.memory_space<hbm>>) target(%arg7 : memref<80x512xf32, #tpu.memory_space<vmem>>) target_semaphore(%run_scoped3A : memref<!tpu.dma_semaphore, #tpu.memory_space<semaphore_mem>>)
        %dma_wait3A = arith.constant 0 : i32
        %dma_wait3A_47 = tpu.memref_slice %arg2[%mul3A_35, %dma_wait3A] : memref<50000x512xf32, #tpu.memory_space<hbm>> -> memref<80x512xf32, #tpu.memory_space<hbm>>
        %dma_wait3A_48 = arith.constant 0 : i32
        %dma_wait3A_49 = tpu.memref_slice %arg2[%mul3A_35, %dma_wait3A_48] : memref<50000x512xf32, #tpu.memory_space<hbm>> -> memref<80x512xf32, #tpu.memory_space<hbm>>
        tpu.wait_dma2 semaphore(%run_scoped3A : memref<!tpu.dma_semaphore, #tpu.memory_space<semaphore_mem>>) src(%dma_wait3A_49 : memref<80x512xf32, #tpu.memory_space<hbm>>) dst(%arg7 : memref<80x512xf32, #tpu.memory_space<vmem>>)
        tpu.yield
      }) : () -> ()
      %mul3A_36 = arith.constant 80 : i32
      %mul3A_37 = arith.muli %add3A_33, %mul3A_36 : i32
      "tpu.region"() ({
        %run_scoped3A = tpu.sem_alloc : memref<!tpu.dma_semaphore, #tpu.memory_space<semaphore_mem>>
        %dma_start3A = arith.constant 0 : i32
        %dma_start3A_44 = tpu.memref_slice %arg8[%dma_start3A] : memref<96xi32, #tpu.memory_space<vmem>> -> memref<80xi32, #tpu.memory_space<vmem>>
        %dma_start3A_45 = tpu.memref_slice %arg3[%mul3A_37] : memref<50000xi32, #tpu.memory_space<hbm>> -> memref<80xi32, #tpu.memory_space<hbm>>
        %dma_start3A_46 = arith.constant 0 : i32
        %dma_start3A_47 = tpu.memref_slice %arg8[%dma_start3A_46] : memref<96xi32, #tpu.memory_space<vmem>> -> memref<80xi32, #tpu.memory_space<vmem>>
        %dma_start3A_48 = tpu.memref_slice %arg3[%mul3A_37] : memref<50000xi32, #tpu.memory_space<hbm>> -> memref<80xi32, #tpu.memory_space<hbm>>
        tpu.enqueue_dma source(%dma_start3A_48 : memref<80xi32, #tpu.memory_space<hbm>>) target(%dma_start3A_47 : memref<80xi32, #tpu.memory_space<vmem>>) target_semaphore(%run_scoped3A : memref<!tpu.dma_semaphore, #tpu.memory_space<semaphore_mem>>)
        %dma_wait3A = arith.constant 0 : i32
        %dma_wait3A_49 = tpu.memref_slice %arg8[%dma_wait3A] : memref<96xi32, #tpu.memory_space<vmem>> -> memref<80xi32, #tpu.memory_space<vmem>>
        %dma_wait3A_50 = tpu.memref_slice %arg3[%mul3A_37] : memref<50000xi32, #tpu.memory_space<hbm>> -> memref<80xi32, #tpu.memory_space<hbm>>
        %dma_wait3A_51 = arith.constant 0 : i32
        %dma_wait3A_52 = tpu.memref_slice %arg8[%dma_wait3A_51] : memref<96xi32, #tpu.memory_space<vmem>> -> memref<80xi32, #tpu.memory_space<vmem>>
        %dma_wait3A_53 = tpu.memref_slice %arg3[%mul3A_37] : memref<50000xi32, #tpu.memory_space<hbm>> -> memref<80xi32, #tpu.memory_space<hbm>>
        tpu.wait_dma2 semaphore(%run_scoped3A : memref<!tpu.dma_semaphore, #tpu.memory_space<semaphore_mem>>) src(%dma_wait3A_53 : memref<80xi32, #tpu.memory_space<hbm>>) dst(%dma_wait3A_52 : memref<80xi32, #tpu.memory_space<vmem>>)
        tpu.yield
      }) : () -> ()
      %scan3A_38 = arith.constant 0 : i32
      %scan3A_39 = arith.constant 0 : i32
      %scan3A_40 = arith.constant 5 : i32
      %scan3A_41 = arith.addi %scan3A_39, %scan3A_40 : i32
      %scan3A_42 = arith.constant 1 : i32
      scf.for %scan3A_44 = %scan3A_39 to %scan3A_41 step %scan3A_42  : i32 {
        %mul3A_45 = arith.constant 16 : i32
        %mul3A_46 = arith.muli %scan3A_44, %mul3A_45 : i32
        %get3A = arith.index_cast %mul3A_46 : i32 to index
        %get3A_47 = tpu.vector_load %arg8[%get3A] {strides = array<i32>} : memref<96xi32, #tpu.memory_space<vmem>>, vector<16xi32>,
        %get3A_48 = vector.shape_cast %get3A_47 : vector<16xi32> to vector<16xi32>
        %slice3A = vector.extract_strided_slice %get3A_48 {offsets = [0], sizes = [1], strides = [1]} : vector<16xi32> to vector<1xi32>
        %squeeze3A = vector.extract %slice3A[0] : i32 from vector<1xi32>
        %slice3A_49 = vector.extract_strided_slice %get3A_48 {offsets = [15], sizes = [1], strides = [1]} : vector<16xi32> to vector<1xi32>
        %squeeze3A_50 = vector.extract %slice3A_49[0] : i32 from vector<1xi32>
        %mul3A_51 = arith.constant 16 : i32
        %mul3A_52 = arith.muli %scan3A_44, %mul3A_51 : i32
        %eq3A = arith.cmpi eq, %squeeze3A, %squeeze3A_50 : i32
        %convert_element_type3A = arith.extui %eq3A : i1 to i32
        %cond3A = arith.constant 0 : i32
        %cond3A_53 = arith.cmpi ne, %convert_element_type3A, %cond3A : i32
        scf.if %cond3A_53 {
          %get3A_57 = arith.index_cast %squeeze3A : i32 to index
          %get3A_58 = arith.constant 0 : index
          %get3A_59 = tpu.vector_load %arg11[%get3A_57, %get3A_58] {strides = array<i32>} : memref<64x16xf32, #tpu.memory_space<vmem>>, vector<1x16xf32>,
          %get3A_60 = vector.shape_cast %get3A_59 : vector<1x16xf32> to vector<16xf32>
          %add3A_61 = arith.constant 1.600000e+01 : f32
          %add3A_62 = vector.broadcast %add3A_61 : f32 to vector<16xf32>
          %add3A_63 = arith.addf %get3A_60, %add3A_62 : vector<16xf32>
          %swap3A = arith.index_cast %squeeze3A : i32 to index
          %swap3A_64 = arith.constant 0 : index
          %swap3A_65 = tpu.vector_load %arg11[%swap3A, %swap3A_64] {strides = array<i32>} : memref<64x16xf32, #tpu.memory_space<vmem>>, vector<1x16xf32>,
          %swap3A_66 = vector.shape_cast %swap3A_65 : vector<1x16xf32> to vector<16xf32>
          %swap3A_67 = vector.shape_cast %add3A_63 : vector<16xf32> to vector<1x16xf32>
          tpu.vector_store %arg11[%swap3A, %swap3A_64], %swap3A_67 {strides = array<i32>} : memref<64x16xf32, #tpu.memory_space<vmem>>, vector<1x16xf32>,
          %scan3A_68 = arith.constant 0 : i32
          %scan3A_69 = arith.constant 0 : i32
          %scan3A_70 = arith.constant 32 : i32
          %scan3A_71 = arith.addi %scan3A_69, %scan3A_70 : i32
          %scan3A_72 = arith.constant 1 : i32
          scf.for %scan3A_74 = %scan3A_69 to %scan3A_71 step %scan3A_72  : i32 {
            %mul3A_75 = arith.constant 16 : i32
            %mul3A_76 = arith.muli %scan3A_74, %mul3A_75 : i32
            %add3A_77 = arith.constant 0 : i32
            %add3A_78 = arith.addi %mul3A_52, %add3A_77 : i32
            %get3A_79 = arith.index_cast %add3A_78 : i32 to index
            %get3A_80 = arith.index_cast %mul3A_76 : i32 to index
            %get3A_81 = tpu.vector_load %arg7[%get3A_79, %get3A_80] {strides = array<i32>} : memref<80x512xf32, #tpu.memory_space<vmem>>, vector<1x16xf32>,
            %get3A_82 = vector.shape_cast %get3A_81 : vector<1x16xf32> to vector<16xf32>
            %add3A_83 = arith.constant 1 : i32
            %add3A_84 = arith.addi %mul3A_52, %add3A_83 : i32
            %get3A_85 = arith.index_cast %add3A_84 : i32 to index
            %get3A_86 = arith.index_cast %mul3A_76 : i32 to index
            %get3A_87 = tpu.vector_load %arg7[%get3A_85, %get3A_86] {strides = array<i32>} : memref<80x512xf32, #tpu.memory_space<vmem>>, vector<1x16xf32>,
            %get3A_88 = vector.shape_cast %get3A_87 : vector<1x16xf32> to vector<16xf32>
            %add3A_89 = arith.constant 2 : i32
            %add3A_90 = arith.addi %mul3A_52, %add3A_89 : i32
            %get3A_91 = arith.index_cast %add3A_90 : i32 to index
            %get3A_92 = arith.index_cast %mul3A_76 : i32 to index
            %get3A_93 = tpu.vector_load %arg7[%get3A_91, %get3A_92] {strides = array<i32>} : memref<80x512xf32, #tpu.memory_space<vmem>>, vector<1x16xf32>,
            %get3A_94 = vector.shape_cast %get3A_93 : vector<1x16xf32> to vector<16xf32>
            %add3A_95 = arith.constant 3 : i32
            %add3A_96 = arith.addi %mul3A_52, %add3A_95 : i32
            %get3A_97 = arith.index_cast %add3A_96 : i32 to index
            %get3A_98 = arith.index_cast %mul3A_76 : i32 to index
            %get3A_99 = tpu.vector_load %arg7[%get3A_97, %get3A_98] {strides = array<i32>} : memref<80x512xf32, #tpu.memory_space<vmem>>, vector<1x16xf32>,
            %get3A_100 = vector.shape_cast %get3A_99 : vector<1x16xf32> to vector<16xf32>
            %add3A_101 = arith.constant 4 : i32
            %add3A_102 = arith.addi %mul3A_52, %add3A_101 : i32
            %get3A_103 = arith.index_cast %add3A_102 : i32 to index
            %get3A_104 = arith.index_cast %mul3A_76 : i32 to index
            %get3A_105 = tpu.vector_load %arg7[%get3A_103, %get3A_104] {strides = array<i32>} : memref<80x512xf32, #tpu.memory_space<vmem>>, vector<1x16xf32>,
            %get3A_106 = vector.shape_cast %get3A_105 : vector<1x16xf32> to vector<16xf32>
            %add3A_107 = arith.constant 5 : i32
            %add3A_108 = arith.addi %mul3A_52, %add3A_107 : i32
            %get3A_109 = arith.index_cast %add3A_108 : i32 to index
            %get3A_110 = arith.index_cast %mul3A_76 : i32 to index
            %get3A_111 = tpu.vector_load %arg7[%get3A_109, %get3A_110] {strides = array<i32>} : memref<80x512xf32, #tpu.memory_space<vmem>>, vector<1x16xf32>,
            %get3A_112 = vector.shape_cast %get3A_111 : vector<1x16xf32> to vector<16xf32>
            %add3A_113 = arith.constant 6 : i32
            %add3A_114 = arith.addi %mul3A_52, %add3A_113 : i32
            %get3A_115 = arith.index_cast %add3A_114 : i32 to index
            %get3A_116 = arith.index_cast %mul3A_76 : i32 to index
            %get3A_117 = tpu.vector_load %arg7[%get3A_115, %get3A_116] {strides = array<i32>} : memref<80x512xf32, #tpu.memory_space<vmem>>, vector<1x16xf32>,
            %get3A_118 = vector.shape_cast %get3A_117 : vector<1x16xf32> to vector<16xf32>
            %add3A_119 = arith.constant 7 : i32
            %add3A_120 = arith.addi %mul3A_52, %add3A_119 : i32
            %get3A_121 = arith.index_cast %add3A_120 : i32 to index
            %get3A_122 = arith.index_cast %mul3A_76 : i32 to index
            %get3A_123 = tpu.vector_load %arg7[%get3A_121, %get3A_122] {strides = array<i32>} : memref<80x512xf32, #tpu.memory_space<vmem>>, vector<1x16xf32>,
            %get3A_124 = vector.shape_cast %get3A_123 : vector<1x16xf32> to vector<16xf32>
            %add3A_125 = arith.constant 8 : i32
            %add3A_126 = arith.addi %mul3A_52, %add3A_125 : i32
            %get3A_127 = arith.index_cast %add3A_126 : i32 to index
            %get3A_128 = arith.index_cast %mul3A_76 : i32 to index
            %get3A_129 = tpu.vector_load %arg7[%get3A_127, %get3A_128] {strides = array<i32>} : memref<80x512xf32, #tpu.memory_space<vmem>>, vector<1x16xf32>,
            %get3A_130 = vector.shape_cast %get3A_129 : vector<1x16xf32> to vector<16xf32>
            %add3A_131 = arith.constant 9 : i32
            %add3A_132 = arith.addi %mul3A_52, %add3A_131 : i32
            %get3A_133 = arith.index_cast %add3A_132 : i32 to index
            %get3A_134 = arith.index_cast %mul3A_76 : i32 to index
            %get3A_135 = tpu.vector_load %arg7[%get3A_133, %get3A_134] {strides = array<i32>} : memref<80x512xf32, #tpu.memory_space<vmem>>, vector<1x16xf32>,
            %get3A_136 = vector.shape_cast %get3A_135 : vector<1x16xf32> to vector<16xf32>
            %add3A_137 = arith.constant 10 : i32
            %add3A_138 = arith.addi %mul3A_52, %add3A_137 : i32
            %get3A_139 = arith.index_cast %add3A_138 : i32 to index
            %get3A_140 = arith.index_cast %mul3A_76 : i32 to index
            %get3A_141 = tpu.vector_load %arg7[%get3A_139, %get3A_140] {strides = array<i32>} : memref<80x512xf32, #tpu.memory_space<vmem>>, vector<1x16xf32>,
            %get3A_142 = vector.shape_cast %get3A_141 : vector<1x16xf32> to vector<16xf32>
            %add3A_143 = arith.constant 11 : i32
            %add3A_144 = arith.addi %mul3A_52, %add3A_143 : i32
            %get3A_145 = arith.index_cast %add3A_144 : i32 to index
            %get3A_146 = arith.index_cast %mul3A_76 : i32 to index
            %get3A_147 = tpu.vector_load %arg7[%get3A_145, %get3A_146] {strides = array<i32>} : memref<80x512xf32, #tpu.memory_space<vmem>>, vector<1x16xf32>,
            %get3A_148 = vector.shape_cast %get3A_147 : vector<1x16xf32> to vector<16xf32>
            %add3A_149 = arith.constant 12 : i32
            %add3A_150 = arith.addi %mul3A_52, %add3A_149 : i32
            %get3A_151 = arith.index_cast %add3A_150 : i32 to index
            %get3A_152 = arith.index_cast %mul3A_76 : i32 to index
            %get3A_153 = tpu.vector_load %arg7[%get3A_151, %get3A_152] {strides = array<i32>} : memref<80x512xf32, #tpu.memory_space<vmem>>, vector<1x16xf32>,
            %get3A_154 = vector.shape_cast %get3A_153 : vector<1x16xf32> to vector<16xf32>
            %add3A_155 = arith.constant 13 : i32
            %add3A_156 = arith.addi %mul3A_52, %add3A_155 : i32
            %get3A_157 = arith.index_cast %add3A_156 : i32 to index
            %get3A_158 = arith.index_cast %mul3A_76 : i32 to index
            %get3A_159 = tpu.vector_load %arg7[%get3A_157, %get3A_158] {strides = array<i32>} : memref<80x512xf32, #tpu.memory_space<vmem>>, vector<1x16xf32>,
            %get3A_160 = vector.shape_cast %get3A_159 : vector<1x16xf32> to vector<16xf32>
            %add3A_161 = arith.constant 14 : i32
            %add3A_162 = arith.addi %mul3A_52, %add3A_161 : i32
            %get3A_163 = arith.index_cast %add3A_162 : i32 to index
            %get3A_164 = arith.index_cast %mul3A_76 : i32 to index
            %get3A_165 = tpu.vector_load %arg7[%get3A_163, %get3A_164] {strides = array<i32>} : memref<80x512xf32, #tpu.memory_space<vmem>>, vector<1x16xf32>,
            %get3A_166 = vector.shape_cast %get3A_165 : vector<1x16xf32> to vector<16xf32>
            %add3A_167 = arith.constant 15 : i32
            %add3A_168 = arith.addi %mul3A_52, %add3A_167 : i32
            %get3A_169 = arith.index_cast %add3A_168 : i32 to index
            %get3A_170 = arith.index_cast %mul3A_76 : i32 to index
            %get3A_171 = tpu.vector_load %arg7[%get3A_169, %get3A_170] {strides = array<i32>} : memref<80x512xf32, #tpu.memory_space<vmem>>, vector<1x16xf32>,
            %get3A_172 = vector.shape_cast %get3A_171 : vector<1x16xf32> to vector<16xf32>
            %get3A_173 = arith.index_cast %squeeze3A : i32 to index
            %get3A_174 = arith.index_cast %mul3A_76 : i32 to index
            %get3A_175 = tpu.vector_load %arg9[%get3A_173, %get3A_174] {strides = array<i32>} : memref<64x512xf32, #tpu.memory_space<vmem>>, vector<1x16xf32>,
            %get3A_176 = vector.shape_cast %get3A_175 : vector<1x16xf32> to vector<16xf32>
            %max3A = arith.maximumf %get3A_82, %get3A_88 : vector<16xf32>
            %max3A_177 = arith.maximumf %get3A_94, %get3A_100 : vector<16xf32>
            %max3A_178 = arith.maximumf %get3A_106, %get3A_112 : vector<16xf32>
            %max3A_179 = arith.maximumf %get3A_118, %get3A_124 : vector<16xf32>
            %max3A_180 = arith.maximumf %get3A_130, %get3A_136 : vector<16xf32>
            %max3A_181 = arith.maximumf %get3A_142, %get3A_148 : vector<16xf32>
            %max3A_182 = arith.maximumf %get3A_154, %get3A_160 : vector<16xf32>
            %max3A_183 = arith.maximumf %get3A_166, %get3A_172 : vector<16xf32>
            %max3A_184 = arith.maximumf %max3A, %max3A_177 : vector<16xf32>
            %max3A_185 = arith.maximumf %max3A_178, %max3A_179 : vector<16xf32>
            %max3A_186 = arith.maximumf %max3A_180, %max3A_181 : vector<16xf32>
            %max3A_187 = arith.maximumf %max3A_182, %max3A_183 : vector<16xf32>
            %max3A_188 = arith.maximumf %max3A_184, %max3A_185 : vector<16xf32>
            %max3A_189 = arith.maximumf %max3A_186, %max3A_187 : vector<16xf32>
            %max3A_190 = arith.maximumf %max3A_188, %max3A_189 : vector<16xf32>
            %max3A_191 = arith.maximumf %get3A_176, %max3A_190 : vector<16xf32>
            %swap3A_192 = arith.index_cast %squeeze3A : i32 to index
            %swap3A_193 = arith.index_cast %mul3A_76 : i32 to index
            %swap3A_194 = tpu.vector_load %arg9[%swap3A_192, %swap3A_193] {strides = array<i32>} : memref<64x512xf32, #tpu.memory_space<vmem>>, vector<1x16xf32>,
            %swap3A_195 = vector.shape_cast %swap3A_194 : vector<1x16xf32> to vector<16xf32>
            %swap3A_196 = vector.shape_cast %max3A_191 : vector<16xf32> to vector<1x16xf32>
            tpu.vector_store %arg9[%swap3A_192, %swap3A_193], %swap3A_196 {strides = array<i32>} : memref<64x512xf32, #tpu.memory_space<vmem>>, vector<1x16xf32>,
            %get3A_197 = arith.index_cast %squeeze3A : i32 to index
            %get3A_198 = arith.index_cast %mul3A_76 : i32 to index
            %get3A_199 = tpu.vector_load %arg10[%get3A_197, %get3A_198] {strides = array<i32>} : memref<64x512xf32, #tpu.memory_space<vmem>>, vector<1x16xf32>,
            %get3A_200 = vector.shape_cast %get3A_199 : vector<1x16xf32> to vector<16xf32>
            %add3A_201 = arith.addf %get3A_82, %get3A_88 : vector<16xf32>
            %add3A_202 = arith.addf %get3A_94, %get3A_100 : vector<16xf32>
            %add3A_203 = arith.addf %get3A_106, %get3A_112 : vector<16xf32>
            %add3A_204 = arith.addf %get3A_118, %get3A_124 : vector<16xf32>
            %add3A_205 = arith.addf %get3A_130, %get3A_136 : vector<16xf32>
            %add3A_206 = arith.addf %get3A_142, %get3A_148 : vector<16xf32>
            %add3A_207 = arith.addf %get3A_154, %get3A_160 : vector<16xf32>
            %add3A_208 = arith.addf %get3A_166, %get3A_172 : vector<16xf32>
            %add3A_209 = arith.addf %add3A_201, %add3A_202 : vector<16xf32>
            %add3A_210 = arith.addf %add3A_203, %add3A_204 : vector<16xf32>
            %add3A_211 = arith.addf %add3A_205, %add3A_206 : vector<16xf32>
            %add3A_212 = arith.addf %add3A_207, %add3A_208 : vector<16xf32>
            %add3A_213 = arith.addf %add3A_209, %add3A_210 : vector<16xf32>
            %add3A_214 = arith.addf %add3A_211, %add3A_212 : vector<16xf32>
            %add3A_215 = arith.addf %add3A_213, %add3A_214 : vector<16xf32>
            %add3A_216 = arith.addf %get3A_200, %add3A_215 : vector<16xf32>
            %swap3A_217 = arith.index_cast %squeeze3A : i32 to index
            %swap3A_218 = arith.index_cast %mul3A_76 : i32 to index
            %swap3A_219 = tpu.vector_load %arg10[%swap3A_217, %swap3A_218] {strides = array<i32>} : memref<64x512xf32, #tpu.memory_space<vmem>>, vector<1x16xf32>,
            %swap3A_220 = vector.shape_cast %swap3A_219 : vector<1x16xf32> to vector<16xf32>
            %swap3A_221 = vector.shape_cast %add3A_216 : vector<16xf32> to vector<1x16xf32>
            tpu.vector_store %arg10[%swap3A_217, %swap3A_218], %swap3A_221 {strides = array<i32>} : memref<64x512xf32, #tpu.memory_space<vmem>>, vector<1x16xf32>,
          }
          %scan3A_73 = arith.constant 32 : i32
        } else {
        }
        %ne3A = arith.cmpi ne, %squeeze3A, %squeeze3A_50 : i32
        %convert_element_type3A_54 = arith.extui %ne3A : i1 to i32
        %cond3A_55 = arith.constant 0 : i32
        %cond3A_56 = arith.cmpi ne, %convert_element_type3A_54, %cond3A_55 : i32
        scf.if %cond3A_56 {
          %scan3A_57 = arith.constant 0 : i32
          %scan3A_58 = arith.constant 0 : i32
          %scan3A_59 = arith.constant 16 : i32
          %scan3A_60 = arith.addi %scan3A_58, %scan3A_59 : i32
          %scan3A_61 = arith.constant 1 : i32
          scf.for %scan3A_63 = %scan3A_58 to %scan3A_60 step %scan3A_61  : i32 {
            %add3A_64 = arith.addi %mul3A_52, %scan3A_63 : i32
            %get3A_65 = arith.index_cast %add3A_64 : i32 to index
            %get3A_66 = tpu.vector_load %arg8[%get3A_65] {strides = array<i32>} : memref<96xi32, #tpu.memory_space<vmem>>, vector<16xi32>,
            %get3A_67 = vector.shape_cast %get3A_66 : vector<16xi32> to vector<16xi32>
            %slice3A_68 = vector.extract_strided_slice %get3A_67 {offsets = [0], sizes = [1], strides = [1]} : vector<16xi32> to vector<1xi32>
            %squeeze3A_69 = vector.extract %slice3A_68[0] : i32 from vector<1xi32>
            %get3A_70 = arith.index_cast %squeeze3A_69 : i32 to index
            %get3A_71 = arith.constant 0 : index
            %get3A_72 = tpu.vector_load %arg11[%get3A_70, %get3A_71] {strides = array<i32>} : memref<64x16xf32, #tpu.memory_space<vmem>>, vector<1x16xf32>,
            %get3A_73 = vector.shape_cast %get3A_72 : vector<1x16xf32> to vector<16xf32>
            %add3A_74 = arith.addf %get3A_73, %broadcast_in_dim3A_5 : vector<16xf32>
            %swap3A = arith.index_cast %squeeze3A_69 : i32 to index
            %swap3A_75 = arith.constant 0 : index
            %swap3A_76 = tpu.vector_load %arg11[%swap3A, %swap3A_75] {strides = array<i32>} : memref<64x16xf32, #tpu.memory_space<vmem>>, vector<1x16xf32>,
            %swap3A_77 = vector.shape_cast %swap3A_76 : vector<1x16xf32> to vector<16xf32>
            %swap3A_78 = vector.shape_cast %add3A_74 : vector<16xf32> to vector<1x16xf32>
            tpu.vector_store %arg11[%swap3A, %swap3A_75], %swap3A_78 {strides = array<i32>} : memref<64x16xf32, #tpu.memory_space<vmem>>, vector<1x16xf32>,
            %scan3A_79 = arith.constant 0 : i32
            %scan3A_80 = arith.constant 0 : i32
            %scan3A_81 = arith.constant 32 : i32
            %scan3A_82 = arith.addi %scan3A_80, %scan3A_81 : i32
            %scan3A_83 = arith.constant 1 : i32
            scf.for %scan3A_85 = %scan3A_80 to %scan3A_82 step %scan3A_83  : i32 {
              %mul3A_86 = arith.constant 16 : i32
              %mul3A_87 = arith.muli %scan3A_85, %mul3A_86 : i32
              %get3A_88 = arith.index_cast %add3A_64 : i32 to index
              %get3A_89 = arith.index_cast %mul3A_87 : i32 to index
              %get3A_90 = tpu.vector_load %arg7[%get3A_88, %get3A_89] {strides = array<i32>} : memref<80x512xf32, #tpu.memory_space<vmem>>, vector<1x16xf32>,
              %get3A_91 = vector.shape_cast %get3A_90 : vector<1x16xf32> to vector<16xf32>
              %get3A_92 = arith.index_cast %squeeze3A_69 : i32 to index
              %get3A_93 = arith.index_cast %mul3A_87 : i32 to index
              %get3A_94 = tpu.vector_load %arg9[%get3A_92, %get3A_93] {strides = array<i32>} : memref<64x512xf32, #tpu.memory_space<vmem>>, vector<1x16xf32>,
              %get3A_95 = vector.shape_cast %get3A_94 : vector<1x16xf32> to vector<16xf32>
              %max3A = arith.maximumf %get3A_95, %get3A_91 : vector<16xf32>
              %swap3A_96 = arith.index_cast %squeeze3A_69 : i32 to index
              %swap3A_97 = arith.index_cast %mul3A_87 : i32 to index
              %swap3A_98 = tpu.vector_load %arg9[%swap3A_96, %swap3A_97] {strides = array<i32>} : memref<64x512xf32, #tpu.memory_space<vmem>>, vector<1x16xf32>,
              %swap3A_99 = vector.shape_cast %swap3A_98 : vector<1x16xf32> to vector<16xf32>
              %swap3A_100 = vector.shape_cast %max3A : vector<16xf32> to vector<1x16xf32>
              tpu.vector_store %arg9[%swap3A_96, %swap3A_97], %swap3A_100 {strides = array<i32>} : memref<64x512xf32, #tpu.memory_space<vmem>>, vector<1x16xf32>,
              %get3A_101 = arith.index_cast %squeeze3A_69 : i32 to index
              %get3A_102 = arith.index_cast %mul3A_87 : i32 to index
              %get3A_103 = tpu.vector_load %arg10[%get3A_101, %get3A_102] {strides = array<i32>} : memref<64x512xf32, #tpu.memory_space<vmem>>, vector<1x16xf32>,
              %get3A_104 = vector.shape_cast %get3A_103 : vector<1x16xf32> to vector<16xf32>
              %add3A_105 = arith.addf %get3A_104, %get3A_91 : vector<16xf32>
              %swap3A_106 = arith.index_cast %squeeze3A_69 : i32 to index
              %swap3A_107 = arith.index_cast %mul3A_87 : i32 to index
              %swap3A_108 = tpu.vector_load %arg10[%swap3A_106, %swap3A_107] {strides = array<i32>} : memref<64x512xf32, #tpu.memory_space<vmem>>, vector<1x16xf32>,
              %swap3A_109 = vector.shape_cast %swap3A_108 : vector<1x16xf32> to vector<16xf32>
              %swap3A_110 = vector.shape_cast %add3A_105 : vector<16xf32> to vector<1x16xf32>
              tpu.vector_store %arg10[%swap3A_106, %swap3A_107], %swap3A_110 {strides = array<i32>} : memref<64x512xf32, #tpu.memory_space<vmem>>, vector<1x16xf32>,
            }
            %scan3A_84 = arith.constant 32 : i32
          }
          %scan3A_62 = arith.constant 16 : i32
        } else {
        }
      }
      %scan3A_43 = arith.constant 5 : i32
    }
    %while3A_31 = arith.constant 1 : i32
    scf.for %while3A_32 = %while3A_29 to %while3A_25 step %while3A_31  : i32 {
      %add3A_33 = arith.addi %add3A_22, %while3A_32 : i32
      %mul3A_34 = arith.constant 80 : i32
      %mul3A_35 = arith.muli %add3A_33, %mul3A_34 : i32
      "tpu.region"() ({
        %run_scoped3A = tpu.sem_alloc : memref<!tpu.dma_semaphore, #tpu.memory_space<semaphore_mem>>
        %dma_start3A = arith.constant 0 : i32
        %dma_start3A_44 = tpu.memref_slice %arg2[%mul3A_35, %dma_start3A] : memref<50000x512xf32, #tpu.memory_space<hbm>> -> memref<80x512xf32, #tpu.memory_space<hbm>>
        %dma_start3A_45 = arith.constant 0 : i32
        %dma_start3A_46 = tpu.memref_slice %arg2[%mul3A_35, %dma_start3A_45] : memref<50000x512xf32, #tpu.memory_space<hbm>> -> memref<80x512xf32, #tpu.memory_space<hbm>>
        tpu.enqueue_dma source(%dma_start3A_46 : memref<80x512xf32, #tpu.memory_space<hbm>>) target(%arg7 : memref<80x512xf32, #tpu.memory_space<vmem>>) target_semaphore(%run_scoped3A : memref<!tpu.dma_semaphore, #tpu.memory_space<semaphore_mem>>)
        %dma_wait3A = arith.constant 0 : i32
        %dma_wait3A_47 = tpu.memref_slice %arg2[%mul3A_35, %dma_wait3A] : memref<50000x512xf32, #tpu.memory_space<hbm>> -> memref<80x512xf32, #tpu.memory_space<hbm>>
        %dma_wait3A_48 = arith.constant 0 : i32
        %dma_wait3A_49 = tpu.memref_slice %arg2[%mul3A_35, %dma_wait3A_48] : memref<50000x512xf32, #tpu.memory_space<hbm>> -> memref<80x512xf32, #tpu.memory_space<hbm>>
        tpu.wait_dma2 semaphore(%run_scoped3A : memref<!tpu.dma_semaphore, #tpu.memory_space<semaphore_mem>>) src(%dma_wait3A_49 : memref<80x512xf32, #tpu.memory_space<hbm>>) dst(%arg7 : memref<80x512xf32, #tpu.memory_space<vmem>>)
        tpu.yield
      }) : () -> ()
      %mul3A_36 = arith.constant 80 : i32
      %mul3A_37 = arith.muli %add3A_33, %mul3A_36 : i32
      "tpu.region"() ({
        %run_scoped3A = tpu.sem_alloc : memref<!tpu.dma_semaphore, #tpu.memory_space<semaphore_mem>>
        %dma_start3A = arith.constant 0 : i32
        %dma_start3A_44 = tpu.memref_slice %arg8[%dma_start3A] : memref<96xi32, #tpu.memory_space<vmem>> -> memref<80xi32, #tpu.memory_space<vmem>>
        %dma_start3A_45 = tpu.memref_slice %arg3[%mul3A_37] : memref<50000xi32, #tpu.memory_space<hbm>> -> memref<80xi32, #tpu.memory_space<hbm>>
        %dma_start3A_46 = arith.constant 0 : i32
        %dma_start3A_47 = tpu.memref_slice %arg8[%dma_start3A_46] : memref<96xi32, #tpu.memory_space<vmem>> -> memref<80xi32, #tpu.memory_space<vmem>>
        %dma_start3A_48 = tpu.memref_slice %arg3[%mul3A_37] : memref<50000xi32, #tpu.memory_space<hbm>> -> memref<80xi32, #tpu.memory_space<hbm>>
        tpu.enqueue_dma source(%dma_start3A_48 : memref<80xi32, #tpu.memory_space<hbm>>) target(%dma_start3A_47 : memref<80xi32, #tpu.memory_space<vmem>>) target_semaphore(%run_scoped3A : memref<!tpu.dma_semaphore, #tpu.memory_space<semaphore_mem>>)
        %dma_wait3A = arith.constant 0 : i32
        %dma_wait3A_49 = tpu.memref_slice %arg8[%dma_wait3A] : memref<96xi32, #tpu.memory_space<vmem>> -> memref<80xi32, #tpu.memory_space<vmem>>
        %dma_wait3A_50 = tpu.memref_slice %arg3[%mul3A_37] : memref<50000xi32, #tpu.memory_space<hbm>> -> memref<80xi32, #tpu.memory_space<hbm>>
        %dma_wait3A_51 = arith.constant 0 : i32
        %dma_wait3A_52 = tpu.memref_slice %arg8[%dma_wait3A_51] : memref<96xi32, #tpu.memory_space<vmem>> -> memref<80xi32, #tpu.memory_space<vmem>>
        %dma_wait3A_53 = tpu.memref_slice %arg3[%mul3A_37] : memref<50000xi32, #tpu.memory_space<hbm>> -> memref<80xi32, #tpu.memory_space<hbm>>
        tpu.wait_dma2 semaphore(%run_scoped3A : memref<!tpu.dma_semaphore, #tpu.memory_space<semaphore_mem>>) src(%dma_wait3A_53 : memref<80xi32, #tpu.memory_space<hbm>>) dst(%dma_wait3A_52 : memref<80xi32, #tpu.memory_space<vmem>>)
        tpu.yield
      }) : () -> ()
      %scan3A_38 = arith.constant 0 : i32
      %scan3A_39 = arith.constant 0 : i32
      %scan3A_40 = arith.constant 5 : i32
      %scan3A_41 = arith.addi %scan3A_39, %scan3A_40 : i32
      %scan3A_42 = arith.constant 1 : i32
      scf.for %scan3A_44 = %scan3A_39 to %scan3A_41 step %scan3A_42  : i32 {
        %mul3A_45 = arith.constant 16 : i32
        %mul3A_46 = arith.muli %scan3A_44, %mul3A_45 : i32
        %get3A = arith.index_cast %mul3A_46 : i32 to index
        %get3A_47 = tpu.vector_load %arg8[%get3A] {strides = array<i32>} : memref<96xi32, #tpu.memory_space<vmem>>, vector<16xi32>,
        %get3A_48 = vector.shape_cast %get3A_47 : vector<16xi32> to vector<16xi32>
        %slice3A = vector.extract_strided_slice %get3A_48 {offsets = [0], sizes = [1], strides = [1]} : vector<16xi32> to vector<1xi32>
        %squeeze3A = vector.extract %slice3A[0] : i32 from vector<1xi32>
        %slice3A_49 = vector.extract_strided_slice %get3A_48 {offsets = [15], sizes = [1], strides = [1]} : vector<16xi32> to vector<1xi32>
        %squeeze3A_50 = vector.extract %slice3A_49[0] : i32 from vector<1xi32>
        %mul3A_51 = arith.constant 16 : i32
        %mul3A_52 = arith.muli %scan3A_44, %mul3A_51 : i32
        %eq3A = arith.cmpi eq, %squeeze3A, %squeeze3A_50 : i32
        %convert_element_type3A = arith.extui %eq3A : i1 to i32
        %cond3A = arith.constant 0 : i32
        %cond3A_53 = arith.cmpi ne, %convert_element_type3A, %cond3A : i32
        scf.if %cond3A_53 {
          %get3A_57 = arith.index_cast %squeeze3A : i32 to index
          %get3A_58 = arith.constant 0 : index
          %get3A_59 = tpu.vector_load %arg11[%get3A_57, %get3A_58] {strides = array<i32>} : memref<64x16xf32, #tpu.memory_space<vmem>>, vector<1x16xf32>,
          %get3A_60 = vector.shape_cast %get3A_59 : vector<1x16xf32> to vector<16xf32>
          %add3A_61 = arith.constant 1.600000e+01 : f32
          %add3A_62 = vector.broadcast %add3A_61 : f32 to vector<16xf32>
          %add3A_63 = arith.addf %get3A_60, %add3A_62 : vector<16xf32>
          %swap3A = arith.index_cast %squeeze3A : i32 to index
          %swap3A_64 = arith.constant 0 : index
          %swap3A_65 = tpu.vector_load %arg11[%swap3A, %swap3A_64] {strides = array<i32>} : memref<64x16xf32, #tpu.memory_space<vmem>>, vector<1x16xf32>,
          %swap3A_66 = vector.shape_cast %swap3A_65 : vector<1x16xf32> to vector<16xf32>
          %swap3A_67 = vector.shape_cast %add3A_63 : vector<16xf32> to vector<1x16xf32>
          tpu.vector_store %arg11[%swap3A, %swap3A_64], %swap3A_67 {strides = array<i32>} : memref<64x16xf32, #tpu.memory_space<vmem>>, vector<1x16xf32>,
          %scan3A_68 = arith.constant 0 : i32
          %scan3A_69 = arith.constant 0 : i32
          %scan3A_70 = arith.constant 32 : i32
          %scan3A_71 = arith.addi %scan3A_69, %scan3A_70 : i32
          %scan3A_72 = arith.constant 1 : i32
          scf.for %scan3A_74 = %scan3A_69 to %scan3A_71 step %scan3A_72  : i32 {
            %mul3A_75 = arith.constant 16 : i32
            %mul3A_76 = arith.muli %scan3A_74, %mul3A_75 : i32
            %add3A_77 = arith.constant 0 : i32
            %add3A_78 = arith.addi %mul3A_52, %add3A_77 : i32
            %get3A_79 = arith.index_cast %add3A_78 : i32 to index
            %get3A_80 = arith.index_cast %mul3A_76 : i32 to index
            %get3A_81 = tpu.vector_load %arg7[%get3A_79, %get3A_80] {strides = array<i32>} : memref<80x512xf32, #tpu.memory_space<vmem>>, vector<1x16xf32>,
            %get3A_82 = vector.shape_cast %get3A_81 : vector<1x16xf32> to vector<16xf32>
            %add3A_83 = arith.constant 1 : i32
            %add3A_84 = arith.addi %mul3A_52, %add3A_83 : i32
            %get3A_85 = arith.index_cast %add3A_84 : i32 to index
            %get3A_86 = arith.index_cast %mul3A_76 : i32 to index
            %get3A_87 = tpu.vector_load %arg7[%get3A_85, %get3A_86] {strides = array<i32>} : memref<80x512xf32, #tpu.memory_space<vmem>>, vector<1x16xf32>,
            %get3A_88 = vector.shape_cast %get3A_87 : vector<1x16xf32> to vector<16xf32>
            %add3A_89 = arith.constant 2 : i32
            %add3A_90 = arith.addi %mul3A_52, %add3A_89 : i32
            %get3A_91 = arith.index_cast %add3A_90 : i32 to index
            %get3A_92 = arith.index_cast %mul3A_76 : i32 to index
            %get3A_93 = tpu.vector_load %arg7[%get3A_91, %get3A_92] {strides = array<i32>} : memref<80x512xf32, #tpu.memory_space<vmem>>, vector<1x16xf32>,
            %get3A_94 = vector.shape_cast %get3A_93 : vector<1x16xf32> to vector<16xf32>
            %add3A_95 = arith.constant 3 : i32
            %add3A_96 = arith.addi %mul3A_52, %add3A_95 : i32
            %get3A_97 = arith.index_cast %add3A_96 : i32 to index
            %get3A_98 = arith.index_cast %mul3A_76 : i32 to index
            %get3A_99 = tpu.vector_load %arg7[%get3A_97, %get3A_98] {strides = array<i32>} : memref<80x512xf32, #tpu.memory_space<vmem>>, vector<1x16xf32>,
            %get3A_100 = vector.shape_cast %get3A_99 : vector<1x16xf32> to vector<16xf32>
            %add3A_101 = arith.constant 4 : i32
            %add3A_102 = arith.addi %mul3A_52, %add3A_101 : i32
            %get3A_103 = arith.index_cast %add3A_102 : i32 to index
            %get3A_104 = arith.index_cast %mul3A_76 : i32 to index
            %get3A_105 = tpu.vector_load %arg7[%get3A_103, %get3A_104] {strides = array<i32>} : memref<80x512xf32, #tpu.memory_space<vmem>>, vector<1x16xf32>,
            %get3A_106 = vector.shape_cast %get3A_105 : vector<1x16xf32> to vector<16xf32>
            %add3A_107 = arith.constant 5 : i32
            %add3A_108 = arith.addi %mul3A_52, %add3A_107 : i32
            %get3A_109 = arith.index_cast %add3A_108 : i32 to index
            %get3A_110 = arith.index_cast %mul3A_76 : i32 to index
            %get3A_111 = tpu.vector_load %arg7[%get3A_109, %get3A_110] {strides = array<i32>} : memref<80x512xf32, #tpu.memory_space<vmem>>, vector<1x16xf32>,
            %get3A_112 = vector.shape_cast %get3A_111 : vector<1x16xf32> to vector<16xf32>
            %add3A_113 = arith.constant 6 : i32
            %add3A_114 = arith.addi %mul3A_52, %add3A_113 : i32
            %get3A_115 = arith.index_cast %add3A_114 : i32 to index
            %get3A_116 = arith.index_cast %mul3A_76 : i32 to index
            %get3A_117 = tpu.vector_load %arg7[%get3A_115, %get3A_116] {strides = array<i32>} : memref<80x512xf32, #tpu.memory_space<vmem>>, vector<1x16xf32>,
            %get3A_118 = vector.shape_cast %get3A_117 : vector<1x16xf32> to vector<16xf32>
            %add3A_119 = arith.constant 7 : i32
            %add3A_120 = arith.addi %mul3A_52, %add3A_119 : i32
            %get3A_121 = arith.index_cast %add3A_120 : i32 to index
            %get3A_122 = arith.index_cast %mul3A_76 : i32 to index
            %get3A_123 = tpu.vector_load %arg7[%get3A_121, %get3A_122] {strides = array<i32>} : memref<80x512xf32, #tpu.memory_space<vmem>>, vector<1x16xf32>,
            %get3A_124 = vector.shape_cast %get3A_123 : vector<1x16xf32> to vector<16xf32>
            %add3A_125 = arith.constant 8 : i32
            %add3A_126 = arith.addi %mul3A_52, %add3A_125 : i32
            %get3A_127 = arith.index_cast %add3A_126 : i32 to index
            %get3A_128 = arith.index_cast %mul3A_76 : i32 to index
            %get3A_129 = tpu.vector_load %arg7[%get3A_127, %get3A_128] {strides = array<i32>} : memref<80x512xf32, #tpu.memory_space<vmem>>, vector<1x16xf32>,
            %get3A_130 = vector.shape_cast %get3A_129 : vector<1x16xf32> to vector<16xf32>
            %add3A_131 = arith.constant 9 : i32
            %add3A_132 = arith.addi %mul3A_52, %add3A_131 : i32
            %get3A_133 = arith.index_cast %add3A_132 : i32 to index
            %get3A_134 = arith.index_cast %mul3A_76 : i32 to index
            %get3A_135 = tpu.vector_load %arg7[%get3A_133, %get3A_134] {strides = array<i32>} : memref<80x512xf32, #tpu.memory_space<vmem>>, vector<1x16xf32>,
            %get3A_136 = vector.shape_cast %get3A_135 : vector<1x16xf32> to vector<16xf32>
            %add3A_137 = arith.constant 10 : i32
            %add3A_138 = arith.addi %mul3A_52, %add3A_137 : i32
            %get3A_139 = arith.index_cast %add3A_138 : i32 to index
            %get3A_140 = arith.index_cast %mul3A_76 : i32 to index
            %get3A_141 = tpu.vector_load %arg7[%get3A_139, %get3A_140] {strides = array<i32>} : memref<80x512xf32, #tpu.memory_space<vmem>>, vector<1x16xf32>,
            %get3A_142 = vector.shape_cast %get3A_141 : vector<1x16xf32> to vector<16xf32>
            %add3A_143 = arith.constant 11 : i32
            %add3A_144 = arith.addi %mul3A_52, %add3A_143 : i32
            %get3A_145 = arith.index_cast %add3A_144 : i32 to index
            %get3A_146 = arith.index_cast %mul3A_76 : i32 to index
            %get3A_147 = tpu.vector_load %arg7[%get3A_145, %get3A_146] {strides = array<i32>} : memref<80x512xf32, #tpu.memory_space<vmem>>, vector<1x16xf32>,
            %get3A_148 = vector.shape_cast %get3A_147 : vector<1x16xf32> to vector<16xf32>
            %add3A_149 = arith.constant 12 : i32
            %add3A_150 = arith.addi %mul3A_52, %add3A_149 : i32
            %get3A_151 = arith.index_cast %add3A_150 : i32 to index
            %get3A_152 = arith.index_cast %mul3A_76 : i32 to index
            %get3A_153 = tpu.vector_load %arg7[%get3A_151, %get3A_152] {strides = array<i32>} : memref<80x512xf32, #tpu.memory_space<vmem>>, vector<1x16xf32>,
            %get3A_154 = vector.shape_cast %get3A_153 : vector<1x16xf32> to vector<16xf32>
            %add3A_155 = arith.constant 13 : i32
            %add3A_156 = arith.addi %mul3A_52, %add3A_155 : i32
            %get3A_157 = arith.index_cast %add3A_156 : i32 to index
            %get3A_158 = arith.index_cast %mul3A_76 : i32 to index
            %get3A_159 = tpu.vector_load %arg7[%get3A_157, %get3A_158] {strides = array<i32>} : memref<80x512xf32, #tpu.memory_space<vmem>>, vector<1x16xf32>,
            %get3A_160 = vector.shape_cast %get3A_159 : vector<1x16xf32> to vector<16xf32>
            %add3A_161 = arith.constant 14 : i32
            %add3A_162 = arith.addi %mul3A_52, %add3A_161 : i32
            %get3A_163 = arith.index_cast %add3A_162 : i32 to index
            %get3A_164 = arith.index_cast %mul3A_76 : i32 to index
            %get3A_165 = tpu.vector_load %arg7[%get3A_163, %get3A_164] {strides = array<i32>} : memref<80x512xf32, #tpu.memory_space<vmem>>, vector<1x16xf32>,
            %get3A_166 = vector.shape_cast %get3A_165 : vector<1x16xf32> to vector<16xf32>
            %add3A_167 = arith.constant 15 : i32
            %add3A_168 = arith.addi %mul3A_52, %add3A_167 : i32
            %get3A_169 = arith.index_cast %add3A_168 : i32 to index
            %get3A_170 = arith.index_cast %mul3A_76 : i32 to index
            %get3A_171 = tpu.vector_load %arg7[%get3A_169, %get3A_170] {strides = array<i32>} : memref<80x512xf32, #tpu.memory_space<vmem>>, vector<1x16xf32>,
            %get3A_172 = vector.shape_cast %get3A_171 : vector<1x16xf32> to vector<16xf32>
            %get3A_173 = arith.index_cast %squeeze3A : i32 to index
            %get3A_174 = arith.index_cast %mul3A_76 : i32 to index
            %get3A_175 = tpu.vector_load %arg9[%get3A_173, %get3A_174] {strides = array<i32>} : memref<64x512xf32, #tpu.memory_space<vmem>>, vector<1x16xf32>,
            %get3A_176 = vector.shape_cast %get3A_175 : vector<1x16xf32> to vector<16xf32>
            %max3A = arith.maximumf %get3A_82, %get3A_88 : vector<16xf32>
            %max3A_177 = arith.maximumf %get3A_94, %get3A_100 : vector<16xf32>
            %max3A_178 = arith.maximumf %get3A_106, %get3A_112 : vector<16xf32>
            %max3A_179 = arith.maximumf %get3A_118, %get3A_124 : vector<16xf32>
            %max3A_180 = arith.maximumf %get3A_130, %get3A_136 : vector<16xf32>
            %max3A_181 = arith.maximumf %get3A_142, %get3A_148 : vector<16xf32>
            %max3A_182 = arith.maximumf %get3A_154, %get3A_160 : vector<16xf32>
            %max3A_183 = arith.maximumf %get3A_166, %get3A_172 : vector<16xf32>
            %max3A_184 = arith.maximumf %max3A, %max3A_177 : vector<16xf32>
            %max3A_185 = arith.maximumf %max3A_178, %max3A_179 : vector<16xf32>
            %max3A_186 = arith.maximumf %max3A_180, %max3A_181 : vector<16xf32>
            %max3A_187 = arith.maximumf %max3A_182, %max3A_183 : vector<16xf32>
            %max3A_188 = arith.maximumf %max3A_184, %max3A_185 : vector<16xf32>
            %max3A_189 = arith.maximumf %max3A_186, %max3A_187 : vector<16xf32>
            %max3A_190 = arith.maximumf %max3A_188, %max3A_189 : vector<16xf32>
            %max3A_191 = arith.maximumf %get3A_176, %max3A_190 : vector<16xf32>
            %swap3A_192 = arith.index_cast %squeeze3A : i32 to index
            %swap3A_193 = arith.index_cast %mul3A_76 : i32 to index
            %swap3A_194 = tpu.vector_load %arg9[%swap3A_192, %swap3A_193] {strides = array<i32>} : memref<64x512xf32, #tpu.memory_space<vmem>>, vector<1x16xf32>,
            %swap3A_195 = vector.shape_cast %swap3A_194 : vector<1x16xf32> to vector<16xf32>
            %swap3A_196 = vector.shape_cast %max3A_191 : vector<16xf32> to vector<1x16xf32>
            tpu.vector_store %arg9[%swap3A_192, %swap3A_193], %swap3A_196 {strides = array<i32>} : memref<64x512xf32, #tpu.memory_space<vmem>>, vector<1x16xf32>,
            %get3A_197 = arith.index_cast %squeeze3A : i32 to index
            %get3A_198 = arith.index_cast %mul3A_76 : i32 to index
            %get3A_199 = tpu.vector_load %arg10[%get3A_197, %get3A_198] {strides = array<i32>} : memref<64x512xf32, #tpu.memory_space<vmem>>, vector<1x16xf32>,
            %get3A_200 = vector.shape_cast %get3A_199 : vector<1x16xf32> to vector<16xf32>
            %add3A_201 = arith.addf %get3A_82, %get3A_88 : vector<16xf32>
            %add3A_202 = arith.addf %get3A_94, %get3A_100 : vector<16xf32>
            %add3A_203 = arith.addf %get3A_106, %get3A_112 : vector<16xf32>
            %add3A_204 = arith.addf %get3A_118, %get3A_124 : vector<16xf32>
            %add3A_205 = arith.addf %get3A_130, %get3A_136 : vector<16xf32>
            %add3A_206 = arith.addf %get3A_142, %get3A_148 : vector<16xf32>
            %add3A_207 = arith.addf %get3A_154, %get3A_160 : vector<16xf32>
            %add3A_208 = arith.addf %get3A_166, %get3A_172 : vector<16xf32>
            %add3A_209 = arith.addf %add3A_201, %add3A_202 : vector<16xf32>
            %add3A_210 = arith.addf %add3A_203, %add3A_204 : vector<16xf32>
            %add3A_211 = arith.addf %add3A_205, %add3A_206 : vector<16xf32>
            %add3A_212 = arith.addf %add3A_207, %add3A_208 : vector<16xf32>
            %add3A_213 = arith.addf %add3A_209, %add3A_210 : vector<16xf32>
            %add3A_214 = arith.addf %add3A_211, %add3A_212 : vector<16xf32>
            %add3A_215 = arith.addf %add3A_213, %add3A_214 : vector<16xf32>
            %add3A_216 = arith.addf %get3A_200, %add3A_215 : vector<16xf32>
            %swap3A_217 = arith.index_cast %squeeze3A : i32 to index
            %swap3A_218 = arith.index_cast %mul3A_76 : i32 to index
            %swap3A_219 = tpu.vector_load %arg10[%swap3A_217, %swap3A_218] {strides = array<i32>} : memref<64x512xf32, #tpu.memory_space<vmem>>, vector<1x16xf32>,
            %swap3A_220 = vector.shape_cast %swap3A_219 : vector<1x16xf32> to vector<16xf32>
            %swap3A_221 = vector.shape_cast %add3A_216 : vector<16xf32> to vector<1x16xf32>
            tpu.vector_store %arg10[%swap3A_217, %swap3A_218], %swap3A_221 {strides = array<i32>} : memref<64x512xf32, #tpu.memory_space<vmem>>, vector<1x16xf32>,
          }
          %scan3A_73 = arith.constant 32 : i32
        } else {
        }
        %ne3A = arith.cmpi ne, %squeeze3A, %squeeze3A_50 : i32
        %convert_element_type3A_54 = arith.extui %ne3A : i1 to i32
        %cond3A_55 = arith.constant 0 : i32
        %cond3A_56 = arith.cmpi ne, %convert_element_type3A_54, %cond3A_55 : i32
        scf.if %cond3A_56 {
          %scan3A_57 = arith.constant 0 : i32
          %scan3A_58 = arith.constant 0 : i32
          %scan3A_59 = arith.constant 16 : i32
          %scan3A_60 = arith.addi %scan3A_58, %scan3A_59 : i32
          %scan3A_61 = arith.constant 1 : i32
          scf.for %scan3A_63 = %scan3A_58 to %scan3A_60 step %scan3A_61  : i32 {
            %add3A_64 = arith.addi %mul3A_52, %scan3A_63 : i32
            %get3A_65 = arith.index_cast %add3A_64 : i32 to index
            %get3A_66 = tpu.vector_load %arg8[%get3A_65] {strides = array<i32>} : memref<96xi32, #tpu.memory_space<vmem>>, vector<16xi32>,
            %get3A_67 = vector.shape_cast %get3A_66 : vector<16xi32> to vector<16xi32>
            %slice3A_68 = vector.extract_strided_slice %get3A_67 {offsets = [0], sizes = [1], strides = [1]} : vector<16xi32> to vector<1xi32>
            %squeeze3A_69 = vector.extract %slice3A_68[0] : i32 from vector<1xi32>
            %get3A_70 = arith.index_cast %squeeze3A_69 : i32 to index
            %get3A_71 = arith.constant 0 : index
            %get3A_72 = tpu.vector_load %arg11[%get3A_70, %get3A_71] {strides = array<i32>} : memref<64x16xf32, #tpu.memory_space<vmem>>, vector<1x16xf32>,
            %get3A_73 = vector.shape_cast %get3A_72 : vector<1x16xf32> to vector<16xf32>
            %add3A_74 = arith.addf %get3A_73, %broadcast_in_dim3A_5 : vector<16xf32>
            %swap3A = arith.index_cast %squeeze3A_69 : i32 to index
            %swap3A_75 = arith.constant 0 : index
            %swap3A_76 = tpu.vector_load %arg11[%swap3A, %swap3A_75] {strides = array<i32>} : memref<64x16xf32, #tpu.memory_space<vmem>>, vector<1x16xf32>,
            %swap3A_77 = vector.shape_cast %swap3A_76 : vector<1x16xf32> to vector<16xf32>
            %swap3A_78 = vector.shape_cast %add3A_74 : vector<16xf32> to vector<1x16xf32>
            tpu.vector_store %arg11[%swap3A, %swap3A_75], %swap3A_78 {strides = array<i32>} : memref<64x16xf32, #tpu.memory_space<vmem>>, vector<1x16xf32>,
            %scan3A_79 = arith.constant 0 : i32
            %scan3A_80 = arith.constant 0 : i32
            %scan3A_81 = arith.constant 32 : i32
            %scan3A_82 = arith.addi %scan3A_80, %scan3A_81 : i32
            %scan3A_83 = arith.constant 1 : i32
            scf.for %scan3A_85 = %scan3A_80 to %scan3A_82 step %scan3A_83  : i32 {
              %mul3A_86 = arith.constant 16 : i32
              %mul3A_87 = arith.muli %scan3A_85, %mul3A_86 : i32
              %get3A_88 = arith.index_cast %add3A_64 : i32 to index
              %get3A_89 = arith.index_cast %mul3A_87 : i32 to index
              %get3A_90 = tpu.vector_load %arg7[%get3A_88, %get3A_89] {strides = array<i32>} : memref<80x512xf32, #tpu.memory_space<vmem>>, vector<1x16xf32>,
              %get3A_91 = vector.shape_cast %get3A_90 : vector<1x16xf32> to vector<16xf32>
              %get3A_92 = arith.index_cast %squeeze3A_69 : i32 to index
              %get3A_93 = arith.index_cast %mul3A_87 : i32 to index
              %get3A_94 = tpu.vector_load %arg9[%get3A_92, %get3A_93] {strides = array<i32>} : memref<64x512xf32, #tpu.memory_space<vmem>>, vector<1x16xf32>,
              %get3A_95 = vector.shape_cast %get3A_94 : vector<1x16xf32> to vector<16xf32>
              %max3A = arith.maximumf %get3A_95, %get3A_91 : vector<16xf32>
              %swap3A_96 = arith.index_cast %squeeze3A_69 : i32 to index
              %swap3A_97 = arith.index_cast %mul3A_87 : i32 to index
              %swap3A_98 = tpu.vector_load %arg9[%swap3A_96, %swap3A_97] {strides = array<i32>} : memref<64x512xf32, #tpu.memory_space<vmem>>, vector<1x16xf32>,
              %swap3A_99 = vector.shape_cast %swap3A_98 : vector<1x16xf32> to vector<16xf32>
              %swap3A_100 = vector.shape_cast %max3A : vector<16xf32> to vector<1x16xf32>
              tpu.vector_store %arg9[%swap3A_96, %swap3A_97], %swap3A_100 {strides = array<i32>} : memref<64x512xf32, #tpu.memory_space<vmem>>, vector<1x16xf32>,
              %get3A_101 = arith.index_cast %squeeze3A_69 : i32 to index
              %get3A_102 = arith.index_cast %mul3A_87 : i32 to index
              %get3A_103 = tpu.vector_load %arg10[%get3A_101, %get3A_102] {strides = array<i32>} : memref<64x512xf32, #tpu.memory_space<vmem>>, vector<1x16xf32>,
              %get3A_104 = vector.shape_cast %get3A_103 : vector<1x16xf32> to vector<16xf32>
              %add3A_105 = arith.addf %get3A_104, %get3A_91 : vector<16xf32>
              %swap3A_106 = arith.index_cast %squeeze3A_69 : i32 to index
              %swap3A_107 = arith.index_cast %mul3A_87 : i32 to index
              %swap3A_108 = tpu.vector_load %arg10[%swap3A_106, %swap3A_107] {strides = array<i32>} : memref<64x512xf32, #tpu.memory_space<vmem>>, vector<1x16xf32>,
              %swap3A_109 = vector.shape_cast %swap3A_108 : vector<1x16xf32> to vector<16xf32>
              %swap3A_110 = vector.shape_cast %add3A_105 : vector<16xf32> to vector<1x16xf32>
              tpu.vector_store %arg10[%swap3A_106, %swap3A_107], %swap3A_110 {strides = array<i32>} : memref<64x512xf32, #tpu.memory_space<vmem>>, vector<1x16xf32>,
            }
            %scan3A_84 = arith.constant 32 : i32
          }
          %scan3A_62 = arith.constant 16 : i32
        } else {
        }
      }
      %scan3A_43 = arith.constant 5 : i32
    }
    "tpu.region"() ({
      %run_scoped3A = tpu.sem_alloc : memref<!tpu.dma_semaphore, #tpu.memory_space<semaphore_mem>>
      %dma_start3A = arith.constant 0 : i32
      %dma_start3A_32 = arith.constant 0 : i32
      %dma_start3A_33 = tpu.memref_slice %arg4[%add3A, %dma_start3A, %dma_start3A_32] : memref<32x64x512xf32, #tpu.memory_space<hbm>> -> memref<1x64x512xf32, #tpu.memory_space<hbm>>
      %dma_start3A_34 = tpu.memref_squeeze %dma_start3A_33 : memref<1x64x512xf32, #tpu.memory_space<hbm>> -> memref<64x512xf32, #tpu.memory_space<hbm>>
      %dma_start3A_35 = arith.constant 0 : i32
      %dma_start3A_36 = arith.constant 0 : i32
      %dma_start3A_37 = tpu.memref_slice %arg4[%add3A, %dma_start3A_35, %dma_start3A_36] : memref<32x64x512xf32, #tpu.memory_space<hbm>> -> memref<1x64x512xf32, #tpu.memory_space<hbm>>
      %dma_start3A_38 = tpu.memref_squeeze %dma_start3A_37 : memref<1x64x512xf32, #tpu.memory_space<hbm>> -> memref<64x512xf32, #tpu.memory_space<hbm>>
      tpu.enqueue_dma source(%arg9 : memref<64x512xf32, #tpu.memory_space<vmem>>) target(%dma_start3A_38 : memref<64x512xf32, #tpu.memory_space<hbm>>) target_semaphore(%run_scoped3A : memref<!tpu.dma_semaphore, #tpu.memory_space<semaphore_mem>>)
      %dma_wait3A = arith.constant 0 : i32
      %dma_wait3A_39 = arith.constant 0 : i32
      %dma_wait3A_40 = tpu.memref_slice %arg4[%add3A, %dma_wait3A, %dma_wait3A_39] : memref<32x64x512xf32, #tpu.memory_space<hbm>> -> memref<1x64x512xf32, #tpu.memory_space<hbm>>
      %dma_wait3A_41 = tpu.memref_squeeze %dma_wait3A_40 : memref<1x64x512xf32, #tpu.memory_space<hbm>> -> memref<64x512xf32, #tpu.memory_space<hbm>>
      %dma_wait3A_42 = arith.constant 0 : i32
      %dma_wait3A_43 = arith.constant 0 : i32
      %dma_wait3A_44 = tpu.memref_slice %arg4[%add3A, %dma_wait3A_42, %dma_wait3A_43] : memref<32x64x512xf32, #tpu.memory_space<hbm>> -> memref<1x64x512xf32, #tpu.memory_space<hbm>>
      %dma_wait3A_45 = tpu.memref_squeeze %dma_wait3A_44 : memref<1x64x512xf32, #tpu.memory_space<hbm>> -> memref<64x512xf32, #tpu.memory_space<hbm>>
      tpu.wait_dma2 semaphore(%run_scoped3A : memref<!tpu.dma_semaphore, #tpu.memory_space<semaphore_mem>>) src(%arg9 : memref<64x512xf32, #tpu.memory_space<vmem>>) dst(%dma_wait3A_45 : memref<64x512xf32, #tpu.memory_space<hbm>>)
      tpu.yield
    }) : () -> ()
    "tpu.region"() ({
      %run_scoped3A = tpu.sem_alloc : memref<!tpu.dma_semaphore, #tpu.memory_space<semaphore_mem>>
      %dma_start3A = arith.constant 0 : i32
      %dma_start3A_32 = arith.constant 0 : i32
      %dma_start3A_33 = tpu.memref_slice %arg5[%add3A, %dma_start3A, %dma_start3A_32] : memref<32x64x512xf32, #tpu.memory_space<hbm>> -> memref<1x64x512xf32, #tpu.memory_space<hbm>>
      %dma_start3A_34 = tpu.memref_squeeze %dma_start3A_33 : memref<1x64x512xf32, #tpu.memory_space<hbm>> -> memref<64x512xf32, #tpu.memory_space<hbm>>
      %dma_start3A_35 = arith.constant 0 : i32
      %dma_start3A_36 = arith.constant 0 : i32
      %dma_start3A_37 = tpu.memref_slice %arg5[%add3A, %dma_start3A_35, %dma_start3A_36] : memref<32x64x512xf32, #tpu.memory_space<hbm>> -> memref<1x64x512xf32, #tpu.memory_space<hbm>>
      %dma_start3A_38 = tpu.memref_squeeze %dma_start3A_37 : memref<1x64x512xf32, #tpu.memory_space<hbm>> -> memref<64x512xf32, #tpu.memory_space<hbm>>
      tpu.enqueue_dma source(%arg10 : memref<64x512xf32, #tpu.memory_space<vmem>>) target(%dma_start3A_38 : memref<64x512xf32, #tpu.memory_space<hbm>>) target_semaphore(%run_scoped3A : memref<!tpu.dma_semaphore, #tpu.memory_space<semaphore_mem>>)
      %dma_wait3A = arith.constant 0 : i32
      %dma_wait3A_39 = arith.constant 0 : i32
      %dma_wait3A_40 = tpu.memref_slice %arg5[%add3A, %dma_wait3A, %dma_wait3A_39] : memref<32x64x512xf32, #tpu.memory_space<hbm>> -> memref<1x64x512xf32, #tpu.memory_space<hbm>>
      %dma_wait3A_41 = tpu.memref_squeeze %dma_wait3A_40 : memref<1x64x512xf32, #tpu.memory_space<hbm>> -> memref<64x512xf32, #tpu.memory_space<hbm>>
      %dma_wait3A_42 = arith.constant 0 : i32
      %dma_wait3A_43 = arith.constant 0 : i32
      %dma_wait3A_44 = tpu.memref_slice %arg5[%add3A, %dma_wait3A_42, %dma_wait3A_43] : memref<32x64x512xf32, #tpu.memory_space<hbm>> -> memref<1x64x512xf32, #tpu.memory_space<hbm>>
      %dma_wait3A_45 = tpu.memref_squeeze %dma_wait3A_44 : memref<1x64x512xf32, #tpu.memory_space<hbm>> -> memref<64x512xf32, #tpu.memory_space<hbm>>
      tpu.wait_dma2 semaphore(%run_scoped3A : memref<!tpu.dma_semaphore, #tpu.memory_space<semaphore_mem>>) src(%arg10 : memref<64x512xf32, #tpu.memory_space<vmem>>) dst(%dma_wait3A_45 : memref<64x512xf32, #tpu.memory_space<hbm>>)
      tpu.yield
    }) : () -> ()
    "tpu.region"() ({
      %run_scoped3A = tpu.sem_alloc : memref<!tpu.dma_semaphore, #tpu.memory_space<semaphore_mem>>
      %dma_start3A = arith.constant 0 : i32
      %dma_start3A_32 = arith.constant 0 : i32
      %dma_start3A_33 = tpu.memref_slice %arg6[%add3A, %dma_start3A, %dma_start3A_32] : memref<32x64x16xf32, #tpu.memory_space<hbm>> -> memref<1x64x16xf32, #tpu.memory_space<hbm>>
      %dma_start3A_34 = tpu.memref_squeeze %dma_start3A_33 : memref<1x64x16xf32, #tpu.memory_space<hbm>> -> memref<64x16xf32, #tpu.memory_space<hbm>>
      %dma_start3A_35 = arith.constant 0 : i32
      %dma_start3A_36 = arith.constant 0 : i32
      %dma_start3A_37 = tpu.memref_slice %arg6[%add3A, %dma_start3A_35, %dma_start3A_36] : memref<32x64x16xf32, #tpu.memory_space<hbm>> -> memref<1x64x16xf32, #tpu.memory_space<hbm>>
      %dma_start3A_38 = tpu.memref_squeeze %dma_start3A_37 : memref<1x64x16xf32, #tpu.memory_space<hbm>> -> memref<64x16xf32, #tpu.memory_space<hbm>>
      tpu.enqueue_dma source(%arg11 : memref<64x16xf32, #tpu.memory_space<vmem>>) target(%dma_start3A_38 : memref<64x16xf32, #tpu.memory_space<hbm>>) target_semaphore(%run_scoped3A : memref<!tpu.dma_semaphore, #tpu.memory_space<semaphore_mem>>)
      %dma_wait3A = arith.constant 0 : i32
      %dma_wait3A_39 = arith.constant 0 : i32
      %dma_wait3A_40 = tpu.memref_slice %arg6[%add3A, %dma_wait3A, %dma_wait3A_39] : memref<32x64x16xf32, #tpu.memory_space<hbm>> -> memref<1x64x16xf32, #tpu.memory_space<hbm>>
      %dma_wait3A_41 = tpu.memref_squeeze %dma_wait3A_40 : memref<1x64x16xf32, #tpu.memory_space<hbm>> -> memref<64x16xf32, #tpu.memory_space<hbm>>
      %dma_wait3A_42 = arith.constant 0 : i32
      %dma_wait3A_43 = arith.constant 0 : i32
      %dma_wait3A_44 = tpu.memref_slice %arg6[%add3A, %dma_wait3A_42, %dma_wait3A_43] : memref<32x64x16xf32, #tpu.memory_space<hbm>> -> memref<1x64x16xf32, #tpu.memory_space<hbm>>
      %dma_wait3A_45 = tpu.memref_squeeze %dma_wait3A_44 : memref<1x64x16xf32, #tpu.memory_space<hbm>> -> memref<64x16xf32, #tpu.memory_space<hbm>>
      tpu.wait_dma2 semaphore(%run_scoped3A : memref<!tpu.dma_semaphore, #tpu.memory_space<semaphore_mem>>) src(%arg11 : memref<64x16xf32, #tpu.memory_space<vmem>>) dst(%dma_wait3A_45 : memref<64x16xf32, #tpu.memory_space<hbm>>)
      tpu.yield
    }) : () -> ()
    return
  }
}

module attributes {stable_mosaic.version = 14 : i64} {
  func.func @_tc_head_body(%arg0: memref<32x64x512xf32, #tpu.memory_space<vmem>>, %arg1: memref<32x64x512xf32, #tpu.memory_space<vmem>>, %arg2: memref<32x64x16xf32, #tpu.memory_space<vmem>>, %arg3: memref<1024x512xf32, #tpu.memory_space<vmem>>, %arg4: memref<512xf32, #tpu.memory_space<vmem>>, %arg5: memref<512xf32, #tpu.memory_space<vmem>>, %arg6: memref<512xf32, #tpu.memory_space<vmem>>, %arg7: memref<512x256xf32, #tpu.memory_space<vmem>>, %arg8: memref<256xf32, #tpu.memory_space<vmem>>, %arg9: memref<256xf32, #tpu.memory_space<vmem>>, %arg10: memref<256xf32, #tpu.memory_space<vmem>>, %arg11: memref<256x8xf32, #tpu.memory_space<vmem>>, %arg12: memref<8xf32, #tpu.memory_space<vmem>>, %arg13: memref<64x8xf32, #tpu.memory_space<vmem>>) attributes {dimension_semantics = [], scalar_prefetch = 0 : i64, scratch_operands = 0 : i64, tpu.core_type = #tpu.core_type<tc>} {
    %get3A = arith.constant 0 : index
    %get3A_0 = arith.constant 0 : index
    %get3A_1 = arith.constant 0 : index
    %get3A_2 = vector.load %arg0[%get3A, %get3A_0, %get3A_1] : memref<32x64x512xf32, #tpu.memory_space<vmem>>, vector<32x64x512xf32>
    %reduce_max3A = arith.constant dense<0xFF800000> : vector<64x512xf32>
    %reduce_max3A_3 = vector.multi_reduction <maximumf>, %get3A_2, %reduce_max3A [0] : vector<32x64x512xf32> to vector<64x512xf32>
    %get3A_4 = arith.constant 0 : index
    %get3A_5 = arith.constant 0 : index
    %get3A_6 = arith.constant 0 : index
    %get3A_7 = vector.load %arg1[%get3A_4, %get3A_5, %get3A_6] : memref<32x64x512xf32, #tpu.memory_space<vmem>>, vector<32x64x512xf32>
    %reduce_sum3A = arith.constant dense<0.000000e+00> : vector<64x512xf32>
    %reduce_sum3A_8 = vector.multi_reduction <add>, %get3A_7, %reduce_sum3A [0] : vector<32x64x512xf32> to vector<64x512xf32>
    %get3A_9 = arith.constant 0 : index
    %get3A_10 = arith.constant 0 : index
    %get3A_11 = arith.constant 0 : index
    %get3A_12 = vector.load %arg2[%get3A_9, %get3A_10, %get3A_11] : memref<32x64x16xf32, #tpu.memory_space<vmem>>, vector<32x64x16xf32>
    %reduce_sum3A_13 = arith.constant dense<0.000000e+00> : vector<64x16xf32>
    %reduce_sum3A_14 = vector.multi_reduction <add>, %get3A_12, %reduce_sum3A_13 [0] : vector<32x64x16xf32> to vector<64x16xf32>
    %slice3A = vector.extract_strided_slice %reduce_sum3A_14 {offsets = [0, 0], sizes = [64, 1], strides = [1, 1]} : vector<64x16xf32> to vector<64x1xf32>
    %max3A = arith.constant 1.000000e+00 : f32
    %max3A_15 = vector.broadcast %max3A : f32 to vector<64x1xf32>
    %max3A_16 = arith.maximumf %slice3A, %max3A_15 : vector<64x1xf32>
    %div3A = vector.broadcast %max3A_16 : vector<64x1xf32> to vector<64x512xf32>
    %div3A_17 = arith.divf %reduce_sum3A_8, %div3A : vector<64x512xf32>
    %concatenate3A = tpu.concatenate %reduce_max3A_3, %div3A_17 in 1 : vector<64x512xf32>, vector<64x512xf32> -> vector<64x1024xf32>
    %get3A_18 = arith.constant 0 : index
    %get3A_19 = arith.constant 0 : index
    %get3A_20 = vector.load %arg3[%get3A_18, %get3A_19] : memref<1024x512xf32, #tpu.memory_space<vmem>>, vector<1024x512xf32>
    %dot_general3A = arith.constant dense<0.000000e+00> : vector<64x512xf32>
    %dot_general3A_21 = tpu.matmul %concatenate3A, %get3A_20, %dot_general3A {dimension_numbers = #tpu.dot_dimension_numbers<[1], [0], [0], [1], [0, 0, 1, 1], [], []>, transpose_lhs_hint = false} : vector<64x1024xf32>, vector<1024x512xf32>, vector<64x512xf32> -> vector<64x512xf32>
    %get3A_22 = arith.constant 0 : index
    %get3A_23 = vector.load %arg4[%get3A_22] : memref<512xf32, #tpu.memory_space<vmem>>, vector<512xf32>
    %broadcast_in_dim3A = vector.shape_cast %get3A_23 : vector<512xf32> to vector<1x512xf32>
    %add3A = vector.broadcast %broadcast_in_dim3A : vector<1x512xf32> to vector<64x512xf32>
    %add3A_24 = arith.addf %dot_general3A_21, %add3A : vector<64x512xf32>
    %get3A_25 = arith.constant 0 : index
    %get3A_26 = vector.load %arg5[%get3A_25] : memref<512xf32, #tpu.memory_space<vmem>>, vector<512xf32>
    %get3A_27 = arith.constant 0 : index
    %get3A_28 = vector.load %arg6[%get3A_27] : memref<512xf32, #tpu.memory_space<vmem>>, vector<512xf32>
    %reduce_sum3A_29 = arith.constant dense<0.000000e+00> : vector<512xf32>
    %reduce_sum3A_30 = vector.multi_reduction <add>, %add3A_24, %reduce_sum3A_29 [0] : vector<64x512xf32> to vector<512xf32>
    %div3A_31 = arith.constant 6.400000e+01 : f32
    %div3A_32 = vector.broadcast %div3A_31 : f32 to vector<512xf32>
    %div3A_33 = arith.divf %reduce_sum3A_30, %div3A_32 : vector<512xf32>
    %broadcast_in_dim3A_34 = vector.shape_cast %div3A_33 : vector<512xf32> to vector<1x512xf32>
    %sub3A = vector.broadcast %broadcast_in_dim3A_34 : vector<1x512xf32> to vector<64x512xf32>
    %sub3A_35 = arith.subf %add3A_24, %sub3A : vector<64x512xf32>
    %integer_pow3A = arith.mulf %sub3A_35, %sub3A_35 : vector<64x512xf32>
    %reduce_sum3A_36 = arith.constant dense<0.000000e+00> : vector<512xf32>
    %reduce_sum3A_37 = vector.multi_reduction <add>, %integer_pow3A, %reduce_sum3A_36 [0] : vector<64x512xf32> to vector<512xf32>
    %div3A_38 = arith.constant 6.400000e+01 : f32
    %div3A_39 = vector.broadcast %div3A_38 : f32 to vector<512xf32>
    %div3A_40 = arith.divf %reduce_sum3A_37, %div3A_39 : vector<512xf32>
    %broadcast_in_dim3A_41 = vector.shape_cast %div3A_33 : vector<512xf32> to vector<1x512xf32>
    %sub3A_42 = vector.broadcast %broadcast_in_dim3A_41 : vector<1x512xf32> to vector<64x512xf32>
    %sub3A_43 = arith.subf %add3A_24, %sub3A_42 : vector<64x512xf32>
    %add3A_44 = arith.constant 9.99999974E-6 : f32
    %add3A_45 = vector.broadcast %add3A_44 : f32 to vector<512xf32>
    %add3A_46 = arith.addf %div3A_40, %add3A_45 : vector<512xf32>
    %rsqrt3A = math.rsqrt %add3A_46 : vector<512xf32>
    %broadcast_in_dim3A_47 = vector.shape_cast %rsqrt3A : vector<512xf32> to vector<1x512xf32>
    %mul3A = vector.broadcast %broadcast_in_dim3A_47 : vector<1x512xf32> to vector<64x512xf32>
    %mul3A_48 = arith.mulf %sub3A_43, %mul3A : vector<64x512xf32>
    %broadcast_in_dim3A_49 = vector.shape_cast %get3A_26 : vector<512xf32> to vector<1x512xf32>
    %mul3A_50 = vector.broadcast %broadcast_in_dim3A_49 : vector<1x512xf32> to vector<64x512xf32>
    %mul3A_51 = arith.mulf %mul3A_48, %mul3A_50 : vector<64x512xf32>
    %broadcast_in_dim3A_52 = vector.shape_cast %get3A_28 : vector<512xf32> to vector<1x512xf32>
    %add3A_53 = vector.broadcast %broadcast_in_dim3A_52 : vector<1x512xf32> to vector<64x512xf32>
    %add3A_54 = arith.addf %mul3A_51, %add3A_53 : vector<64x512xf32>
    %gt3A = arith.constant 0.000000e+00 : f32
    %gt3A_55 = vector.broadcast %gt3A : f32 to vector<64x512xf32>
    %gt3A_56 = arith.cmpf ogt, %add3A_54, %gt3A_55 : vector<64x512xf32>
    %mul3A_57 = arith.constant 0.00999999977 : f32
    %mul3A_58 = vector.broadcast %mul3A_57 : f32 to vector<64x512xf32>
    %mul3A_59 = arith.mulf %mul3A_58, %add3A_54 : vector<64x512xf32>
    %select_n3A = arith.select %gt3A_56, %add3A_54, %mul3A_59 : vector<64x512xi1>, vector<64x512xf32>
    %get3A_60 = arith.constant 0 : index
    %get3A_61 = arith.constant 0 : index
    %get3A_62 = vector.load %arg7[%get3A_60, %get3A_61] : memref<512x256xf32, #tpu.memory_space<vmem>>, vector<512x256xf32>
    %dot_general3A_63 = arith.constant dense<0.000000e+00> : vector<64x256xf32>
    %dot_general3A_64 = tpu.matmul %select_n3A, %get3A_62, %dot_general3A_63 {dimension_numbers = #tpu.dot_dimension_numbers<[1], [0], [0], [1], [0, 0, 1, 1], [], []>, transpose_lhs_hint = false} : vector<64x512xf32>, vector<512x256xf32>, vector<64x256xf32> -> vector<64x256xf32>
    %get3A_65 = arith.constant 0 : index
    %get3A_66 = vector.load %arg8[%get3A_65] : memref<256xf32, #tpu.memory_space<vmem>>, vector<256xf32>
    %broadcast_in_dim3A_67 = vector.shape_cast %get3A_66 : vector<256xf32> to vector<1x256xf32>
    %add3A_68 = vector.broadcast %broadcast_in_dim3A_67 : vector<1x256xf32> to vector<64x256xf32>
    %add3A_69 = arith.addf %dot_general3A_64, %add3A_68 : vector<64x256xf32>
    %get3A_70 = arith.constant 0 : index
    %get3A_71 = vector.load %arg9[%get3A_70] : memref<256xf32, #tpu.memory_space<vmem>>, vector<256xf32>
    %get3A_72 = arith.constant 0 : index
    %get3A_73 = vector.load %arg10[%get3A_72] : memref<256xf32, #tpu.memory_space<vmem>>, vector<256xf32>
    %reduce_sum3A_74 = arith.constant dense<0.000000e+00> : vector<256xf32>
    %reduce_sum3A_75 = vector.multi_reduction <add>, %add3A_69, %reduce_sum3A_74 [0] : vector<64x256xf32> to vector<256xf32>
    %div3A_76 = arith.constant 6.400000e+01 : f32
    %div3A_77 = vector.broadcast %div3A_76 : f32 to vector<256xf32>
    %div3A_78 = arith.divf %reduce_sum3A_75, %div3A_77 : vector<256xf32>
    %broadcast_in_dim3A_79 = vector.shape_cast %div3A_78 : vector<256xf32> to vector<1x256xf32>
    %sub3A_80 = vector.broadcast %broadcast_in_dim3A_79 : vector<1x256xf32> to vector<64x256xf32>
    %sub3A_81 = arith.subf %add3A_69, %sub3A_80 : vector<64x256xf32>
    %integer_pow3A_82 = arith.mulf %sub3A_81, %sub3A_81 : vector<64x256xf32>
    %reduce_sum3A_83 = arith.constant dense<0.000000e+00> : vector<256xf32>
    %reduce_sum3A_84 = vector.multi_reduction <add>, %integer_pow3A_82, %reduce_sum3A_83 [0] : vector<64x256xf32> to vector<256xf32>
    %div3A_85 = arith.constant 6.400000e+01 : f32
    %div3A_86 = vector.broadcast %div3A_85 : f32 to vector<256xf32>
    %div3A_87 = arith.divf %reduce_sum3A_84, %div3A_86 : vector<256xf32>
    %broadcast_in_dim3A_88 = vector.shape_cast %div3A_78 : vector<256xf32> to vector<1x256xf32>
    %sub3A_89 = vector.broadcast %broadcast_in_dim3A_88 : vector<1x256xf32> to vector<64x256xf32>
    %sub3A_90 = arith.subf %add3A_69, %sub3A_89 : vector<64x256xf32>
    %add3A_91 = arith.constant 9.99999974E-6 : f32
    %add3A_92 = vector.broadcast %add3A_91 : f32 to vector<256xf32>
    %add3A_93 = arith.addf %div3A_87, %add3A_92 : vector<256xf32>
    %rsqrt3A_94 = math.rsqrt %add3A_93 : vector<256xf32>
    %broadcast_in_dim3A_95 = vector.shape_cast %rsqrt3A_94 : vector<256xf32> to vector<1x256xf32>
    %mul3A_96 = vector.broadcast %broadcast_in_dim3A_95 : vector<1x256xf32> to vector<64x256xf32>
    %mul3A_97 = arith.mulf %sub3A_90, %mul3A_96 : vector<64x256xf32>
    %broadcast_in_dim3A_98 = vector.shape_cast %get3A_71 : vector<256xf32> to vector<1x256xf32>
    %mul3A_99 = vector.broadcast %broadcast_in_dim3A_98 : vector<1x256xf32> to vector<64x256xf32>
    %mul3A_100 = arith.mulf %mul3A_97, %mul3A_99 : vector<64x256xf32>
    %broadcast_in_dim3A_101 = vector.shape_cast %get3A_73 : vector<256xf32> to vector<1x256xf32>
    %add3A_102 = vector.broadcast %broadcast_in_dim3A_101 : vector<1x256xf32> to vector<64x256xf32>
    %add3A_103 = arith.addf %mul3A_100, %add3A_102 : vector<64x256xf32>
    %gt3A_104 = arith.constant 0.000000e+00 : f32
    %gt3A_105 = vector.broadcast %gt3A_104 : f32 to vector<64x256xf32>
    %gt3A_106 = arith.cmpf ogt, %add3A_103, %gt3A_105 : vector<64x256xf32>
    %mul3A_107 = arith.constant 0.00999999977 : f32
    %mul3A_108 = vector.broadcast %mul3A_107 : f32 to vector<64x256xf32>
    %mul3A_109 = arith.mulf %mul3A_108, %add3A_103 : vector<64x256xf32>
    %select_n3A_110 = arith.select %gt3A_106, %add3A_103, %mul3A_109 : vector<64x256xi1>, vector<64x256xf32>
    %get3A_111 = arith.constant 0 : index
    %get3A_112 = arith.constant 0 : index
    %get3A_113 = vector.load %arg11[%get3A_111, %get3A_112] : memref<256x8xf32, #tpu.memory_space<vmem>>, vector<256x8xf32>
    %dot_general3A_114 = arith.constant dense<0.000000e+00> : vector<64x8xf32>
    %dot_general3A_115 = tpu.matmul %select_n3A_110, %get3A_113, %dot_general3A_114 {dimension_numbers = #tpu.dot_dimension_numbers<[1], [0], [0], [1], [0, 0, 1, 1], [], []>, transpose_lhs_hint = false} : vector<64x256xf32>, vector<256x8xf32>, vector<64x8xf32> -> vector<64x8xf32>
    %get3A_116 = arith.constant 0 : index
    %get3A_117 = vector.load %arg12[%get3A_116] : memref<8xf32, #tpu.memory_space<vmem>>, vector<8xf32>
    %broadcast_in_dim3A_118 = vector.shape_cast %get3A_117 : vector<8xf32> to vector<1x8xf32>
    %add3A_119 = vector.broadcast %broadcast_in_dim3A_118 : vector<1x8xf32> to vector<64x8xf32>
    %add3A_120 = arith.addf %dot_general3A_115, %add3A_119 : vector<64x8xf32>
    %swap3A = arith.constant 0 : index
    %swap3A_121 = arith.constant 0 : index
    %swap3A_122 = vector.load %arg13[%swap3A, %swap3A_121] : memref<64x8xf32, #tpu.memory_space<vmem>>, vector<64x8xf32>
    tpu.vector_store %arg13[%swap3A, %swap3A_121], %add3A_120 {strides = array<i32>} : memref<64x8xf32, #tpu.memory_space<vmem>>, vector<64x8xf32>,
    return
  }
}

</mosaic_0001>

<sc_bundles>
// kernel: kernel.4.cloned.1.call-start
scs
__scs_entry_jumppad:
0x0: {  	(pc) =	sbr.rel $0x88, $3  }
0x1: {  	(tag) =	ssettag $0x0;
	lr =	simm.s32 $0x1  }
0x2: {  	[smem:$0x3F95] =	sst lr;
	_ =	strace $0xD0000000  }
0x3: {  	_ = 	snop  }
0x4: {  	_ = 	snop  }
0x5: {  	_ = 	snop  }
0x6: {  	_ = 	snop  }
0x7: {  	_ = 	snop  }
__scs_overlays_trampoline_lowered:
0x8: {  	[smem:$0x3FA4] =	sst s0  }
0x9: {  	[smem:$0x3FA5] =	sst s1  }
0xa: {  	[smem:$0x3FA6] =	sst s2  }
0xb: {  	[smem:$0x3FA7] =	sst s3  }
0xc: {  	[smem:$0x3FA8] =	sst s4  }
0xd: {  	[smem:$0x3FA9] =	sst s5  }
0xe: {  	[smem:$0x3FAA] =	sst s6  }
0xf: {  	[smem:$0x3FAB] =	sst s7  }
0x10: {  	[smem:$0x3FAC] =	sst s8  }
0x11: {  	[smem:$0x3FAD] =	sst s9;
	s0 =	simm.s32 @!p0 $0x0  }
0x12: {  	s1 =	sld [smem:$0x3F93];
	s0 =	simm.s32 @p0 $0x1  }
0x13: {  	[smem:$0x3FAE] =	sst s0;
	s0 =	simm.s32 @!p1 $0x0  }
0x14: {  	s2 =	sld [smem:$0x3F92];
	s0 =	simm.s32 @p1 $0x1  }
0x15: {  	[smem:$0x3FAF] =	sst s0;
	s0 =	simm.s32 @!p2 $0x0  }
0x16: {  	s3 =	sld [smem:$0x3FDB];
	s0 =	simm.s32 @p2 $0x1  }
0x17: {  	s4 =	simm.s32 $0x1BF5;
	[smem:$0x3FB1] =	sst s0  }
0x18: {  	s0 =	sld [smem:$0x3F94];
	_ =	swait.ge [sflag:s4], $0x0  }
0x19: {  	s7 =	sld [smem:$0x3F95]  }
0x1a: {  	s8 =	sadd.s32 $0xFFFFE003, lr  }
0x1b: {  	s9 =	sadd.s32 $0xFFFFFEF7, lr;
	s5 =	simm.s32 $0xFFFFFFFF;
	p2 =	slt.u32 s8, $0xFFFFF086  }
0x1c: {  	p1 =	slt.u32 s9, $0xF7A;
	s5 =	simm.s32 @!p2 $0x0  }
0x1d: {  	s5 =	simm.s32 @p1 $0x1;
	p0 =	seq.s32 s7, s2  }
0x1e: {  	s7 =	smul.u32 @!p0 $0xF7A, s2;
	p2 =	seq.s32 @!p0 s5, $0x0  }
0x1f: {  	s9 =	smul.u32 $0xF7A, s1;
	s8 =	simm.s32 @!p0 $0x1BF5;
	p2 =	por !p2, p0  }
0x20: {  	[sflag:s8] =	ssyncset.s32 @!p0 $0xFFFFF086;
	s6 =	sadd.s32 @!p0 s3, s7;
	s7 =	simm.s32 @!p0 $0x108  }
0x21: {  	s3 =	sadd.s32 s3, s9;
	s6 =	sadd.s32 @!p0 $0x88, s6;
	s7 =	simm.s32 @p2 $0x1082  }
0x22: {  	[simem:s7], [sflag:s8] =	dma.local @!p0 [hbm:s6], $0xF7A  }
0x23: {  	s9 =	sor.u32 $0xD0000000, s2;
	s6 =	simm.s32 $0x108;
	_ =	swait.ge @!p0 [sflag:s8], $0x0  }
0x24: {  	s3 =	sadd.s32 $0x88, s3;
	s6 =	simm.s32 @!p1 $0x1082;
	[sflag:s4] =	ssyncset.s32 $0xFFFFF086  }
0x25: {  	[simem:s6], [sflag:s4] =	dma.local [hbm:s3], $0xF7A  }
0x26: {  	[smem:$0x3F95] =	sst s1;
	(tag) =	ssettag s2;
	_ =	strace s9  }
0x27: {  	s1 =	sld [smem:$0x3FA5]  }
0x28: {  	s2 =	sld [smem:$0x3FA6]  }
0x29: {  	s4 =	sld [smem:$0x3FA8]  }
0x2a: {  	p0 =	seq.s32 s5, $0x0;
	s5 =	sld [smem:$0x3FA9]  }
0x2b: {  	s6 =	sld [smem:$0x3FAA]  }
0x2c: {  	s7 =	sld [smem:$0x3FAB]  }
0x2d: {  	s3 =	simm.s32 $0x108;
	s8 =	sld [smem:$0x3FAC]  }
0x2e: {  	s3 =	simm.s32 @!p0 $0x1082;
	s9 =	sld [smem:$0x3FAD]  }
0x2f: {  	lr =	sadd.s32 s0, s3;
	s0 =	sld [smem:$0x3FA4]  }
0x30: {  	s3 =	sld [smem:$0x3FA7]  }
0x31: {  	[smem:$0x3FB0] =	sst s10  }
0x32: {  	s10 =	sld [smem:$0x3FAE];
	_ =	sdelay $0x3  }
0x33: {  	p0 =	seq.s32 s10, $0x1;
	s10 =	sld [smem:$0x3FB0];
	_ =	sdelay $0x3  }
0x34: {  	[smem:$0x3FB0] =	sst s10  }
0x35: {  	s10 =	sld [smem:$0x3FAF];
	_ =	sdelay $0x3  }
0x36: {  	p1 =	seq.s32 s10, $0x1;
	s10 =	sld [smem:$0x3FB0];
	_ =	sdelay $0x3  }
0x37: {  	[smem:$0x3FB0] =	sst s10  }
0x38: {  	s10 =	sld [smem:$0x3FB1]  }
0x39: {  	_ = 	snop;
	(pc) =	sbr.ind lr, $3  }
0x3a: {  	_ = 	snop  }
0x3b: {  	_ = 	snop  }
0x3c: {  	p2 =	seq.s32 s10, $0x1;
	s10 =	sld [smem:$0x3FB0]  }
0x3d: {  	_ =	shalt  }
0x3e: {  	_ =	shalt  }
0x3f: {  	_ =	shalt  }
0x40: {  	_ =	shalt  }
0x41: {  	_ =	shalt  }
0x42: {  	_ =	shalt  }
0x43: {  	_ =	shalt  }
0x44: {  	_ =	shalt  }
0x45: {  	_ =	shalt  }
0x46: {  	_ =	shalt  }
0x47: {  	_ =	shalt  }
0x48: {  	_ =	shalt  }
0x49: {  	_ =	shalt  }
0x4a: {  	_ =	shalt  }
0x4b: {  	_ =	shalt  }
0x4c: {  	_ =	shalt  }
0x4d: {  	_ =	shalt  }
0x4e: {  	_ =	shalt  }
0x4f: {  	_ =	shalt  }
0x50: {  	_ =	shalt  }
0x51: {  	_ =	shalt  }
0x52: {  	_ =	shalt  }
0x53: {  	_ =	shalt  }
0x54: {  	_ =	shalt  }
0x55: {  	_ =	shalt  }
0x56: {  	_ =	shalt  }
0x57: {  	_ =	shalt  }
0x58: {  	_ =	shalt  }
0x59: {  	_ =	shalt  }
0x5a: {  	_ =	shalt  }
0x5b: {  	_ =	shalt  }
0x5c: {  	_ =	shalt  }
0x5d: {  	_ =	shalt  }
0x5e: {  	_ =	shalt  }
0x5f: {  	_ =	shalt  }
0x60: {  	_ =	shalt  }
0x61: {  	_ =	shalt  }
0x62: {  	_ =	shalt  }
0x63: {  	_ =	shalt  }
0x64: {  	_ =	shalt  }
0x65: {  	_ =	shalt  }
0x66: {  	_ =	shalt  }
0x67: {  	_ =	shalt  }
0x68: {  	_ =	shalt  }
0x69: {  	_ =	shalt  }
0x6a: {  	_ =	shalt  }
0x6b: {  	_ =	shalt  }
0x6c: {  	_ =	shalt  }
0x6d: {  	_ =	shalt  }
0x6e: {  	_ =	shalt  }
0x6f: {  	_ =	shalt  }
0x70: {  	_ =	shalt  }
0x71: {  	_ =	shalt  }
0x72: {  	_ =	shalt  }
0x73: {  	_ =	shalt  }
0x74: {  	_ =	shalt  }
0x75: {  	_ =	shalt  }
0x76: {  	_ =	shalt  }
0x77: {  	_ =	shalt  }
0x78: {  	_ =	shalt  }
0x79: {  	_ =	shalt  }
0x7a: {  	_ =	shalt  }
0x7b: {  	_ =	shalt  }
0x7c: {  	_ =	shalt  }
0x7d: {  	_ =	shalt  }
0x7e: {  	_ =	shalt  }
0x7f: {  	_ =	shalt  }
0x80: {  	_ =	shalt  }
0x81: {  	_ =	shalt  }
0x82: {  	_ =	shalt  }
0x83: {  	_ =	shalt  }
0x84: {  	_ =	shalt  }
0x85: {  	_ =	shalt  }
0x86: {  	_ =	shalt  }
0x87: {  	_ =	shalt  }
.Lfunc_end0:
.L_simem_size_0:
called_computation_lowered:
.L_overlay_start_0:
0x88: {  	s2 =	sld [smem:$0x3FD9]  }
0x89: {  	s3 =	sld [smem:$0x3FFE];
	_ =	sdelay $0x1  }
0x8a: {  	s1 =	srdreg.scid  }
0x8b: {  	s0 =	sand.u32 $0x1, s1  }
0x8c: {  	s17 =	sshll.u32 s0, $0xA;
	s2 =	sadd.s32 s3, s2  }
0x8d: {  	s2 =	sadd.s32 s2, s17  }
0x8e: {  	[smem:$0x3FBC] =	sst s2  }
0x8f: {  	_ = 	snop  }
0x90: {  	s2 =	sld [smem:$0x3FC9]  }
0x91: {  	s18 =	sld [smem:$0x3FC8];
	(tm) =	ssettm $0x1  }
0x92: {  	s4 =	sld [smem:$0x3FFB];
	_ =	sdelay $0x3  }
0x93: {  	_ =	strace s4  }
0x94: {  	s4 =	sld [smem:$0x3FFC];
	_ =	sdelay $0x3  }
0x95: {  	_ =	strace s4  }
0x96: {  	s4 =	sld [smem:$0x3FFD];
	_ =	sdelay $0x3  }
0x97: {  	_ =	strace s4  }
0x98: {  	_ =	strace $0x8FFFFFFF  }
0x99: {  	s19 =	sld [smem:$0x3FDB];
	_ =	sdelay $0x1  }
0x9a: {  	s5 =	simm.s32 $_scs_section_size  }
0x9b: {  	s6 =	simm.s32 $_size__tile_overlayer_lowered;
	s7 =	simm.s32 $_tile_overlayer_lowered  }
0x9c: {  	s22 =	simm.s32 $0x1BFF;
	s21 =	sshll.u32 s7, $0x1;
	s4 =	sadd.s32 s5, s19  }
0x9d: {  	s8 =	simm.s32 $0x0;
	s20 =	sshll.u32 s6, $0x1;
	s6 =	sadd.s32 s21, s4  }
0x9e: {  	[timem:s8], [sflag:s22] =	dma.local [hbm:s6], s20  }
0x9f: {  	_ =	swait.ge [sflag:s22], s20  }
0xa0: {  	s5 =	ssub.s32 $0x0, s20;
	[sflag:s22] =	ssyncset.done $0x0  }
0xa1: {  	[sflag:s22] =	ssyncadd.s32 s5;
	_ =	sdelay $0x1  }
0xa2: {  	s23 =	simm.s32 $0x1B8B  }
0xa3: {  	_ =	swait.ge [sflag:s23], $0x1  }
0xa4: {  	[sflag:s23] =	ssyncset.done $0x0  }
0xa5: {  	s25 =	simm.s32 $0x1B8E;
	s24 =	sld [smem:$0x3FFE];
	[sflag:s23] =	ssyncadd.s32 $0xFFFFFFFF  }
0xa6: {  	s26 =	simm.s32 $execute0_lowered;
	[smem:$0x3FD2] =	sst s25  }
0xa7: {  	s6 =	sshll.u32 s26, $0x1;
	_ =	strace $0x80000046;
	[dreg:$0x1] =	wrdreg $0xFFFFFFFF  }
0xa8: {  	s28 =	simm.s32 $_size_execute0_lowered;
	s4 =	sadd.s32 s4, s6;
	[dreg:$0x0] =	wrdreg $0x0  }
0xa9: {  	s6 =	sshll.u32 s28, $0x1;
	[dreg:$0x2] =	wrdreg s4  }
0xaa: {  	[dreg:$0x3] =	wrdreg s6  }
0xab: {  	[dreg:$0x4] =	wrdreg $0xC0  }
0xac: {  	_ =	task [dreg:s8], $0x5FFFF  }
0xad: {  	[dreg:$0x1] =	wrdreg $0xFFFFFFFF  }
0xae: {  	[dreg:$0x0] =	wrdreg $0x60  }
0xaf: {  	[dreg:$0x2] =	wrdreg s2  }
0xb0: {  	[dreg:$0x3] =	wrdreg s18  }
0xb1: {  	[dreg:$0x4] =	wrdreg s24  }
0xb2: {  	[dreg:$0x5] =	wrdreg $0x9  }
0xb3: {  	_ =	task.clear_ibuf [dreg:s8], $0x6FFFF;
	_ =	strace $0x90000046  }
0xb4: {  	s29 =	simm.s32 $0x9;
	_ =	strace $0x80000048  }
0xb5: {  	_ =	swait.ge [sflag:s29], $0x1  }
0xb6: {  	[sflag:s29] =	ssyncadd.s32 $0xFFFFFFFF  }
0xb7: {  	_ =	strace $0x90000048  }
0xb8: {  	_ =	sfence  }
0xb9: {  	s30 =	sld [smem:$0x0];
	_ =	sdelay $0x2  }
0xba: {  	s31 =	sshll.u32 s1, $0xD;
	s1 =	sshrl.u32 s1, $0x2  }
0xbb: {  	s3 =	sand.u32 $0x4000, s31;
	s1 =	sadd.s32 s1, s30  }
0xbc: {  	s0 =	sor.u32 s3, s0;
	s1 =	sshll.u32 s1, $0x11  }
0xbd: {  	s0 =	sor.u32 s1, s0  }
0xbe: {  	s0 =	sadd.s32 $0x8F2B, s0  }
0xbf: {  	[sflag:s0] =	ssyncadd.remote.s32 $0x1  }
0xc0: {  	_ =	sfence.sel $0xFFFF  }
0xc1: {  	[dreg:$0x0] =	wrdreg $0xFFFFFFFF;
	(pc) =	sbr.abs _section_cstart, $3  }
0xc2: {  	[dreg:$0x1] =	wrdreg $0xFFFFFFFF  }
0xc3: {  	_ =	task.clear_ibuf [dreg:s8], $0x2FFFF;
	_ =	strace $0x9FFFFFFF  }
0xc4: {  	(tm) =	ssettm $0x7FFFFFFF  }
0xc5: {  	_ =	shalt  }
tec
execute0_lowered:
.L_overlay_start_1:
0x0: {  	(tag) =	ssettag $0x1  }
0x1: {  	s1 =	rddreg [dreg:$0x0]  }
0x2: {  	s3 =	rddreg [dreg:$0x1]  }
0x3: {  	s5 =	rddreg [dreg:$0x2]  }
0x4: {  	s0 =	rddreg [dreg:$0x3]  }
0x5: {  	s6 =	srdreg.scid;
	s2 =	stileid.u32  }
0x6: {  	s4 =	simm.s32 $0x0;
	s11 =	simm.s32 $0x1;
	s12 =	simm.s32 $0xA000  }
0x7: {  	s13 =	simm.s32 $0xA080;
	s14 =	simm.s32 $0x12080;
	s15 =	simm.s32 $0x1A080  }
0x8: {  	s6 =	sand.u32 $0x1, s6;
	s7 =	sshll.u32 s2, $0x1;
	[smem:$0x7FF] =	sst s4  }
0x9: {  	s16 =	simm.s32 $0x0;
	s7 =	sor.u32 s6, s7;
	_ =	strace $0x80000047  }
0xa: {  	s6 =	ssub.s32 $0x2, s6;
	s8 =	sshll.u32 s7, $0xC;
	s31 =	smul.u32 $0x13, s7  }
.Ltmp0:
0xb: {  	s9 =	sshll.u32 s7, $0xA;
	s10 =	sshrl.u32 s6, $0x1;
	(pc) =	sbr.rel .LBB2_1-.Ltmp0, $4  }
0xc: {  	p0 =	slt.u32 s7, $0x11;
	s7 =	smin.u32 s7, $0x11;
	s8 =	sadd.s32 s8, s5  }
0xd: {  	s9 =	sadd.s32 s9, s5;
	s10 =	ssub.s32 s6, s10;
	s5 =	simm.s32 $0x14  }
0xe: {  	s5 =	simm.s32 @!p0 $0x13;
	s6 =	sadd.s32 s7, s31;
	s7 =	sadd.s32 $0x2200, s8  }
0xf: {  	v0 =	vimm.f32 $-Inf;
	v1 =	vimm.f32 $0.0e+00;
	s8 =	sadd.s32 $0x22200, s8;
	s9 =	sadd.s32 $0x42200, s9;
	s10 =	smax.u32 s10, $0x1  }
.LBB2_16:
0x10: {  	[hbm4b:s7+s4] =	stream.linear.scatter [tilespmem:s13], [sflag:$0x1], $0x8000, $0x38;
	[tilespmem:$0x1C080] =	vst v63  }
0x11: {  	_ =	swait.ge [sflag:s11], $0x8000  }
0x12: {  	[sflag:s11] =	ssyncset.done $0x0  }
0x13: {  	[sflag:s11] =	ssyncadd.s32 $0xFFFF8000  }
0x14: {  	[hbm4b:s8+s4] =	stream.linear.scatter [tilespmem:s14], [sflag:$0x1], $0x8000, $0x38;
	[tilespmem:$0x1C080] =	vst v63  }
0x15: {  	s16 =	sadd.s32 $0x1, s16;
	_ =	swait.ge [sflag:s11], $0x8000  }
0x16: {  	p0 =	sne.s32 s16, s10;
	[sflag:s11] =	ssyncset.done $0x0  }
.Ltmp1:
0x17: {  	[sflag:s11] =	ssyncadd.s32 $0xFFFF8000;
	(pc) =	sbr.rel @!p0 .LBB2_17-.Ltmp1, $4  }
0x18: {  	[hbm4b:s9+s4] =	stream.linear.scatter [tilespmem:s15], [sflag:$0x1], $0x2000, $0x38;
	[tilespmem:$0x1C080] =	vst v63  }
0x19: {  	_ =	swait.ge [sflag:s11], $0x2000  }
0x1a: {  	[sflag:s11] =	ssyncset.done $0x0  }
0x1b: {  	[sflag:s11] =	ssyncadd.s32 $0xFFFFE000  }
.LBB2_1:
0x1c: {  	s17 =	sand.u32 $0x70, s4;
	s18 =	simm.s32 $0x0;
	s19 =	sand.u32 $0xC00, s4  }
0x1d: {  	s20 =	simm.s32 $0x0;
	s18 =	sand.u32 $0x7000, s18;
	s17 =	sor.u32 s19, s17  }
0x1e: {  	s31 =	sand.u32 $0x380, s20;
	s17 =	sor.u32 s18, s17  }
0x1f: {  	s21 =	sor.u32 s31, s17  }
0x20: {  	s19 =	simm.s32 $0x10;
	s20 =	simm.s32 $0x0;
	s18 =	simm.s32 $0x1;
	[tilespmem:s21+$0x12080] =	vst v1  }
.LBB2_2:
0x21: {  	s17 =	sand.u32 $0x70, s19;
	s22 =	sshll.u32 s18, $0x4  }
0x22: {  	[tilespmem:s21+$0xA080] =	vst v0;
	s20 =	sadd.s32 $0x80, s20;
	s21 =	smov.u32 s18;
	p0 =	sne.s32 s18, $0x7FF  }
.Ltmp2:
0x23: {  	s18 =	sadd.s32 $0x1, s18;
	s23 =	sand.u32 $0xC00, s20;
	(pc) =	sbr.rel @p0 .LBB2_2-.Ltmp2, $4  }
0x24: {  	s22 =	sand.u32 $0x7000, s22;
	s21 =	sshll.u32 s21, $0x2;
	s17 =	sor.u32 s23, s17  }
0x25: {  	s21 =	sand.u32 $0x380, s21;
	s17 =	sor.u32 s22, s17  }
0x26: {  	s21 =	sor.u32 s21, s17  }
0x27: {  	s19 =	sadd.s32 $0x10, s19;
	s17 =	simm.s32 $0x0;
	[tilespmem:s21+$0x12080] =	vst v1  }
0x28: {  	[tilespmem:s21+$0xA080] =	vst v0;
	s18 =	simm.s32 $0x200;
	s19 =	simm.s32 $0x0  }
.LBB2_4:
0x29: {  	p0 =	sne.s32 s18, $0x7E00;
	[tilespmem:s19+$0x1A080] =	vst v1;
	s19 =	smov.u32 s18;
	s18 =	sadd.s32 $0x200, s18  }
.Ltmp3:
0x2a: {  	(pc) =	sbr.rel @p0 .LBB2_4-.Ltmp3, $2  }
0x2b: {  	_ =	sdelay $0x2  }
0x2c: {  	s19 =	sshra.s32 s19, $0x2  }
.Ltmp4:
0x2d: {  	(pc) =	sbr.rel .LBB2_6-.Ltmp4, $2  }
0x2e: {  	_ =	sdelay $0x2  }
0x2f: {  	[tilespmem:s19+$0x1A080] =	vst v1  }
.LBB2_15:
0x30: {  	s17 =	sadd.s32 $0x1, s17  }
0x31: {  	p0 =	sne.s32 s17, s5  }
.Ltmp5:
0x32: {  	_ = 	snop;
	(pc) =	sbr.rel @!p0 .LBB2_16-.Ltmp5, $1  }
0x33: {  	_ =	sdelay $0x3  }
.LBB2_6:
0x34: {  	s19 =	sadd.s32 s17, s6  }
0x35: {  	s18 =	smul.u32 $0x1400, s19;
	_ =	sdelay $0x1  }
0x36: {  	s20 =	sadd.s32 s1, s18;
	s18 =	simm.s32 $0x0  }
0x37: {  	[tilespmem:s18], [sflag:$0x1] =	stream.linear.gather [hbm4b:s20+s18], $0xA000, $0x38;
	[tilespmem:$0x1C080] =	vst v63  }
0x38: {  	s19 =	smul.u32 $0xA, s19;
	_ =	swait.ge [sflag:s11], $0xA000  }
0x39: {  	[sflag:s11] =	ssyncset.done $0x0  }
.Ltmp6:
0x3a: {  	s19 =	sadd.s32 s3, s19;
	[sflag:s11] =	ssyncadd.s32 $0xFFFF6000;
	(pc) =	sbr.rel .LBB2_7-.Ltmp6, $4  }
0x3b: {  	[tilespmem:s12], [sflag:$0x1] =	stream.linear.gather [hbm4b:s19+s18], $0x50, $0x38;
	[tilespmem:$0x1C080] =	vst v63  }
0x3c: {  	_ =	swait.ge [sflag:s11], $0x50  }
0x3d: {  	[sflag:s11] =	ssyncset.done $0x0  }
0x3e: {  	[sflag:s11] =	ssyncadd.s32 $0xFFFFFFB0  }
.LBB2_14:
0x3f: {  	s18 =	sadd.s32 $0x1, s18  }
0x40: {  	p0 =	sne.s32 s18, $0x5  }
.Ltmp7:
0x41: {  	_ = 	snop;
	(pc) =	sbr.rel @!p0 .LBB2_15-.Ltmp7, $1  }
0x42: {  	_ =	sdelay $0x3  }
.LBB2_7:
0x43: {  	s19 =	sshll.u32 s18, $0x4  }
0x44: {  	v2 =	vld [tilespmem:s19+$0xA000];
	_ =	sdelay $0x4  }
0x45: {  	(v2sf) =	vpush v2, $0x0  }
0x46: {  	(v2sf) =	vpush v2, $0xF;
	_ =	sdelay $0xd  }
0x47: {  	s23 =	spop (v2sf)  }
0x48: {  	s20 =	spop (v2sf)  }
0x49: {  	p0 =	sne.s32 s23, s20  }
.Ltmp8:
0x4a: {  	_ = 	snop;
	(pc) =	sbr.rel @p0 .LBB2_11-.Ltmp8, $2  }
0x4b: {  	_ =	sdelay $0x2  }
0x4c: {  	s20 =	simm.s32 $0x0  }
0x4d: {  	s24 =	sshll.u32 s23, $0x9  }
0x4e: {  	s21 =	sshra.s32 s24, $0x2  }
0x4f: {  	v2 =	vld [tilespmem:s21+$0x1A080];
	_ =	sdelay $0x3  }
0x50: {  	s20 =	sshll.u32 s18, $0xD;
	s19 =	simm.s32 $0x0  }
0x51: {  	s20 =	sand.u32 $0x3FFFE000, s20;
	s26 =	sand.u32 $0xC00, s19;
	v2 =	vadd.f32 $1.600000000e+01, v2  }
0x52: {  	s22 =	sand.u32 $0x70, s19;
	s25 =	sadd.s32 s26, s20  }
0x53: {  	s25 =	sadd.s32 s22, s25;
	[tilespmem:s21+$0x1A080] =	vst v2  }
0x54: {  	v2 =	vld [tilespmem:s25+$0x1380]  }
0x55: {  	v7 =	vld [tilespmem:s25+$0x280]  }
0x56: {  	v8 =	vld [tilespmem:s25+$0x380]  }
0x57: {  	v9 =	vld [tilespmem:s25+$0x200]  }
0x58: {  	v10 =	vld [tilespmem:s25+$0x300]  }
0x59: {  	v6 =	vld [tilespmem:s25+$0x1180]  }
0x5a: {  	v5 =	vld [tilespmem:s25+$0x1080]  }
0x5b: {  	v12 =	vld [tilespmem:s25+$0x180]  }
0x5c: {  	v3 =	vld [tilespmem:s25+$0x1280]  }
0x5d: {  	s21 =	sor.u32 $0x1000, s20;
	v15 =	vld [tilespmem:s25+$0x100]  }
0x5e: {  	s28 =	sadd.s32 s26, s21;
	v4 =	vld [tilespmem:s25+$0x80]  }
0x5f: {  	s31 =	sshll.u32 s23, $0x7;
	v11 =	vld [tilespmem:s25+$0x1100];
	s28 =	sadd.s32 s22, s28;
	v14 =	vmax.f32 v9, v7  }
0x60: {  	s24 =	sand.u32 $0xFFFFF000, s24;
	s23 =	sand.u32 $0x380, s31;
	v13 =	vld [tilespmem:s28+$0x0];
	v9 =	vadd.f32 v7, v9;
	v7 =	vmax.f32 v10, v8;
	v8 =	vadd.f32 v8, v10  }
0x61: {  	s23 =	sor.u32 s23, s24;
	v10 =	vld [tilespmem:s25+$0x1300];
	v7 =	vmax.f32 v14, v7  }
0x62: {  	s24 =	simm.s32 $0x10;
	s26 =	sor.u32 s26, s23;
	v14 =	vld [tilespmem:s25+$0x1200];
	v8 =	vadd.f32 v8, v9;
	v9 =	vmax.f32 v15, v12;
	v12 =	vadd.f32 v12, v15  }
.LBB2_9:
0x63: {  	p0 =	seq.s32 s24, $0x1F0  }
0x64: {  	v15 =	vld [tilespmem:s25+$0x0];
	s19 =	sadd.s32 $0x80, s19;
	s25 =	smov.u32 s24;
	s24 =	sadd.s32 $0x10, s24  }
0x65: {  	v16 =	vmax.f32 v11, v6;
	v6 =	vadd.f32 v6, v11  }
0x66: {  	v11 =	vmax.f32 v13, v5;
	v5 =	vadd.f32 v5, v13  }
0x67: {  	v11 =	vmax.f32 v11, v16;
	v13 =	vadd.f32 v2, v10  }
0x68: {  	s28 =	sor.u32 s22, s26;
	v16 =	vmax.f32 v14, v3;
	v3 =	vadd.f32 v3, v14  }
0x69: {  	v2 =	vmax.f32 v10, v2;
	v5 =	vadd.f32 v6, v5;
	v14 =	vld [tilespmem:s28+$0xA080];
	v10 =	vadd.f32 v4, v15  }
0x6a: {  	v4 =	vmax.f32 v15, v4;
	v3 =	vadd.f32 v13, v3  }
0x6b: {  	v2 =	vmax.f32 v16, v2;
	v4 =	vmax.f32 v4, v9;
	v6 =	vld [tilespmem:s28+$0x12080];
	v9 =	vadd.f32 v12, v10  }
0x6c: {  	v2 =	vmax.f32 v11, v2;
	v4 =	vmax.f32 v4, v7;
	v3 =	vadd.f32 v3, v5  }
0x6d: {  	v2 =	vmax.f32 v4, v2;
	v4 =	vadd.f32 v8, v9  }
0x6e: {  	v2 =	vmax.f32 v14, v2  }
0x6f: {  	[tilespmem:s28+$0xA080] =	vst v2;
	v2 =	vadd.f32 v3, v4;
	_ =	sdelay $0x1  }
0x70: {  	s26 =	sand.u32 $0xC00, s19;
	v2 =	vadd.f32 v2, v6  }
0x71: {  	s22 =	sand.u32 $0x70, s25;
	s25 =	sadd.s32 s26, s20;
	s29 =	sadd.s32 s26, s21  }
0x72: {  	s26 =	sor.u32 s26, s23;
	s25 =	sadd.s32 s22, s25;
	s29 =	sadd.s32 s22, s29;
	[tilespmem:s28+$0x12080] =	vst v2  }
0x73: {  	v2 =	vld [tilespmem:s25+$0x1380]  }
0x74: {  	v4 =	vld [tilespmem:s25+$0x280]  }
0x75: {  	v7 =	vld [tilespmem:s25+$0x380]  }
0x76: {  	v8 =	vld [tilespmem:s25+$0x200]  }
0x77: {  	v9 =	vld [tilespmem:s25+$0x300]  }
0x78: {  	v6 =	vld [tilespmem:s25+$0x1180]  }
0x79: {  	v5 =	vld [tilespmem:s25+$0x1080]  }
0x7a: {  	v12 =	vld [tilespmem:s25+$0x180]  }
0x7b: {  	v3 =	vld [tilespmem:s25+$0x1280];
	v14 =	vmax.f32 v8, v4;
	v8 =	vadd.f32 v4, v8  }
0x7c: {  	v15 =	vld [tilespmem:s25+$0x100];
	v16 =	vmax.f32 v9, v7  }
.Ltmp9:
0x7d: {  	v4 =	vld [tilespmem:s25+$0x80];
	(pc) =	sbr.rel @!p0 .LBB2_9-.Ltmp9, $4  }
0x7e: {  	v9 =	vadd.f32 v7, v9;
	v11 =	vld [tilespmem:s25+$0x1100]  }
0x7f: {  	v13 =	vld [tilespmem:s29+$0x0]  }
0x80: {  	v7 =	vmax.f32 v14, v16;
	v8 =	vadd.f32 v9, v8;
	v10 =	vld [tilespmem:s25+$0x1300]  }
0x81: {  	v14 =	vld [tilespmem:s25+$0x1200];
	v9 =	vmax.f32 v15, v12;
	v12 =	vadd.f32 v12, v15  }
0x82: {  	v15 =	vld [tilespmem:s25+$0x0];
	_ =	sdelay $0x2  }
0x83: {  	v16 =	vadd.f32 v6, v11  }
0x84: {  	v17 =	vadd.f32 v5, v13;
	v18 =	vadd.f32 v2, v10  }
0x85: {  	v19 =	vadd.f32 v3, v14;
	v20 =	vadd.f32 v4, v15  }
0x86: {  	s19 =	sor.u32 s22, s26;
	v16 =	vadd.f32 v16, v17  }
0x87: {  	v57 =	vmax.f32 v11, v6;
	v59 =	vld [tilespmem:s19+$0xA080];
	v58 =	vadd.f32 v18, v19;
	v12 =	vadd.f32 v12, v20  }
0x88: {  	v61 =	vld [tilespmem:s19+$0x12080];
	v60 =	vmax.f32 v13, v5;
	v2 =	vmax.f32 v10, v2;
	v3 =	vmax.f32 v14, v3  }
0x89: {  	v62 =	vmax.f32 v15, v4;
	v11 =	vadd.f32 v58, v16;
	v8 =	vadd.f32 v8, v12  }
0x8a: {  	v5 =	vmax.f32 v60, v57;
	v2 =	vmax.f32 v3, v2;
	v4 =	vmax.f32 v62, v9  }
.Ltmp10:
0x8b: {  	v2 =	vmax.f32 v5, v2;
	v3 =	vmax.f32 v4, v7;
	v63 =	vadd.f32 v11, v8;
	(pc) =	sbr.rel .LBB2_14-.Ltmp10, $4  }
0x8c: {  	v2 =	vmax.f32 v3, v2  }
0x8d: {  	v2 =	vmax.f32 v59, v2;
	v3 =	vadd.f32 v63, v61  }
0x8e: {  	[tilespmem:s19+$0xA080] =	vst v2  }
0x8f: {  	[tilespmem:s19+$0x12080] =	vst v3  }
.LBB2_11:
0x90: {  	s21 =	sor.u32 s19, s20  }
0x91: {  	v2 =	vld [tilespmem:s21+$0xA000];
	_ =	sdelay $0x4  }
0x92: {  	(v2sf) =	vpush v2, $0x0;
	_ =	sdelay $0xe  }
0x93: {  	s22 =	spop (v2sf)  }
0x94: {  	s23 =	sshll.u32 s22, $0x9  }
0x95: {  	s24 =	sshra.s32 s23, $0x2  }
0x96: {  	v2 =	vld [tilespmem:s24+$0x1A080];
	_ =	sdelay $0x1  }
0x97: {  	s25 =	sshll.u32 s20, $0x7  }
0x98: {  	s26 =	simm.s32 $0x0;
	s21 =	sshll.u32 s21, $0x9;
	s22 =	sshll.u32 s22, $0x7  }
0x99: {  	s25 =	sand.u32 $0x380, s25;
	s23 =	sand.u32 $0xFFFFF000, s23;
	s22 =	sand.u32 $0x380, s22  }
0x9a: {  	s30 =	sand.u32 $0xC00, s26;
	s21 =	sand.u32 $0xF000, s21;
	s22 =	sor.u32 s22, s23;
	v2 =	vadd.f32 $1.000000000e+00, v2  }
0x9b: {  	s31 =	sand.u32 $0x70, s26;
	s21 =	sor.u32 s25, s21;
	s29 =	sor.u32 s30, s22  }
0x9c: {  	s30 =	sadd.s32 s30, s21;
	s23 =	sor.u32 s31, s29;
	[tilespmem:s24+$0x1A080] =	vst v2  }
0x9d: {  	s24 =	sadd.s32 s31, s30;
	v4 =	vld [tilespmem:s23+$0xA080]  }
0x9e: {  	v2 =	vld [tilespmem:s24+$0x0];
	_ =	sdelay $0x1  }
0x9f: {  	v3 =	vld [tilespmem:s23+$0x12080];
	_ =	sdelay $0x1  }
0xa0: {  	s25 =	simm.s32 $0x80;
	s31 =	simm.s32 $0x10  }
0xa1: {  	s26 =	simm.s32 $0x20;
	s28 =	sand.u32 $0xC00, s25;
	s24 =	sand.u32 $0x70, s31;
	v4 =	vmax.f32 v4, v2  }
.LBB2_12:
0xa2: {  	s29 =	sand.u32 $0x70, s26  }
0xa3: {  	s30 =	sadd.s32 s28, s21;
	s28 =	sor.u32 s28, s22;
	v2 =	vadd.f32 v3, v2;
	s31 =	smov.u32 s26  }
0xa4: {  	s31 =	sadd.s32 $0x10, s26;
	s30 =	sadd.s32 s24, s30;
	s28 =	sor.u32 s24, s28;
	[tilespmem:s23+$0xA080] =	vst v4  }
0xa5: {  	p0 =	sne.s32 s26, $0x1F0;
	s24 =	smov.u32 s29;
	v4 =	vld [tilespmem:s28+$0xA080];
	[tilespmem:s23+$0x12080] =	vst v2;
	s23 =	smov.u32 s28  }
0xa6: {  	v2 =	vld [tilespmem:s30+$0x0]  }
.Ltmp11:
0xa7: {  	v3 =	vld [tilespmem:s23+$0x12080];
	(pc) =	sbr.rel @p0 .LBB2_12-.Ltmp11, $3  }
0xa8: {  	_ =	sdelay $0x1  }
0xa9: {  	s25 =	sadd.s32 $0x80, s25  }
0xaa: {  	s28 =	sand.u32 $0xC00, s25;
	s26 =	smov.u32 s31;
	v4 =	vmax.f32 v4, v2  }
0xab: {  	s22 =	sor.u32 s28, s22;
	v2 =	vadd.f32 v3, v2  }
0xac: {  	[tilespmem:s23+$0xA080] =	vst v4;
	s21 =	sadd.s32 s28, s21;
	s22 =	sor.u32 s24, s22  }
0xad: {  	s21 =	sadd.s32 s24, s21;
	v3 =	vld [tilespmem:s22+$0xA080];
	[tilespmem:s23+$0x12080] =	vst v2  }
0xae: {  	v2 =	vld [tilespmem:s21+$0x0]  }
0xaf: {  	v4 =	vld [tilespmem:s22+$0x12080]  }
0xb0: {  	s20 =	sadd.s32 $0x1, s20  }
0xb1: {  	p0 =	sne.s32 s20, $0x10  }
.Ltmp12:
0xb2: {  	_ = 	snop;
	(pc) =	sbr.rel @p0 .LBB2_11-.Ltmp12, $4  }
.Ltmp13:
0xb3: {  	_ = 	snop;
	(pc) =	sbr.rel @!p0 .LBB2_14-.Ltmp13, $4  }
0xb4: {  	v3 =	vmax.f32 v3, v2;
	v2 =	vadd.f32 v4, v2  }
0xb5: {  	[tilespmem:s22+$0xA080] =	vst v3  }
0xb6: {  	[tilespmem:s22+$0x12080] =	vst v2  }
0xb7: {  	_ = 	snop  }
.LBB2_17:
0xb8: {  	_ =	sfence.sel $0x180000  }
0xb9: {  	[bflag:$0x0] =	sbarrier.arrive $0xFFFF  }
0xba: {  	p0 =	sne.s32 s2, $0x0;
	_ =	strace $0x90000047  }
0xbb: {  	s0 =	sadd.s32 @!p0 $0x100000, s0;
	[bflag:$0x2] =	sbarrier.arrive $0xFFFF  }
0xbc: {  	[sflag:s0] =	ssyncadd.tile.s32 @!p0 $0x1;
	_ =	shalt  }
.Lfunc_end2:
_tile_overlayer_lowered:
.L_overlay_start_2:
0xbd: {  	(tag) =	ssettag $0x2  }
0xbe: {  	s0 =	rddreg [dreg:$0x0];
	s2 =	stileid.u32  }
0xbf: {  	s1 =	rddreg [dreg:$0x1];
	p0 =	sne.s32 s2, $0x0  }
0xc0: {  	s3 =	rddreg [dreg:$0x2];
	[bflag:$0x3] =	sbarrier.arrive $0xFFFF;
	s2 =	simm.s32 @!p0 $0x1C01  }
0xc1: {  	[timem:s3], [sflag:s2] =	dma.local @!p0 [hbm:s0], s1  }
0xc2: {  	s0 =	simm.s32 @!p0 $0x1  }
0xc3: {  	_ =	swait.ge @!p0 [sflag:s0], s1  }
0xc4: {  	s1 =	ssub.s32 @!p0 $0x0, s1;
	[sflag:s0] =	ssyncset.done @!p0 $0x0  }
0xc5: {  	[sflag:s0] =	ssyncadd.s32 @!p0 s1  }
0xc6: {  	[bflag:$0x3] =	sbarrier.arrive $0xFFFF  }
0xc7: {  	_ =	shalt  }

</sc_bundles>
